<compile_context>
chip_gen: v7x
topology: tpu7x:2x2x1
jax: 0.10.2.dev20260603
libtpu: 0.0.44.dev20260713+nightly
codegen_flags: <defaults>
</compile_context>

<pallas_src>
import functools

import numpy as np
import jax
import jax.numpy as jnp
from jax import lax
from jax.experimental import pallas as pl
from jax.experimental.pallas import tpu as pltpu
from jax.experimental.pallas import tpu_sc as plsc

_B = 1024
_LPOS = 20
_LSESS = 50
_NCLASS = 100000
_NEG_CAND = 256

_NC = 2
_NS = 16
_L = 16
_NW = _NC * _NS

_POS_PAD = 32
_N_NEG = _B * _B
_N_POS = _B * _POS_PAD
_N_TOT = _N_NEG + _N_POS
_CHUNK = 128
_N_CHUNKS = _N_TOT // _CHUNK
_CHUNKS_PER_W = _N_CHUNKS // _NW


def _tf2x32(k0, k1, x0, x1):
    rot = [[13, 15, 26, 6], [17, 29, 16, 24]]
    ks = [np.uint32(k0), np.uint32(k1)]
    ks.append(np.uint32(ks[0] ^ ks[1] ^ np.uint32(0x1BD11BDA)))
    x0 = (x0 + ks[0]).astype(np.uint32)
    x1 = (x1 + ks[1]).astype(np.uint32)

    def rotl(v, d):
        return ((v << np.uint32(d)) | (v >> np.uint32(32 - d))).astype(
            np.uint32)

    for r in range(5):
        for d in rot[r % 2]:
            x0 = (x0 + x1).astype(np.uint32)
            x1 = rotl(x1, d)
            x1 = (x1 ^ x0).astype(np.uint32)
        x0 = (x0 + ks[(r + 1) % 3]).astype(np.uint32)
        x1 = (x1 + ks[(r + 2) % 3] + np.uint32(r + 1)).astype(np.uint32)
    return x0, x1


def _tf_pair(key, n):
    return _tf2x32(key[0], key[1], np.zeros(n, np.uint32),
                   np.arange(n, dtype=np.uint32))


def _cand_table():
    with np.errstate(over="ignore"):
        b1, b2 = _tf_pair(np.array([0, 42], np.uint32), _B)
        keys = np.stack([b1, b2], axis=1)
        span = np.uint32(_NCLASS)
        mult = np.uint32(np.uint32(2 ** 16) % span)
        mult = np.uint32((mult * mult) % span)
        out = np.empty((_B, _NEG_CAND), np.int32)
        for i in range(_B):
            s1, s2 = _tf_pair(keys[i], 2)
            hi1, hi2 = _tf_pair(np.array([s1[0], s2[0]], np.uint32),
                                _NEG_CAND)
            lo1, lo2 = _tf_pair(np.array([s1[1], s2[1]], np.uint32),
                                _NEG_CAND)
            higher = (hi1 ^ hi2).astype(np.uint32)
            lower = (lo1 ^ lo2).astype(np.uint32)
            off = ((higher % span) * mult + (lower % span)).astype(np.uint32)
            out[i] = (off % span).astype(np.int32)
    return out


_CAND = _cand_table()


def _stage1_body(labels_ref, sessions_ref, cand_ref, negidx_ref, posidx_ref):
    labels = labels_ref[...]
    sessions = sessions_ref[...]
    cand = cand_ref[...]

    bad = jnp.zeros((_B, _NEG_CAND), dtype=jnp.bool_)
    for j in range(_LPOS):
        bad = bad | (cand == labels[:, j][:, None])
    for j in range(_LSESS):
        bad = bad | (cand == sessions[:, j][:, None])

    kiota = lax.broadcasted_iota(jnp.int32, (_B, _NEG_CAND), 1)
    km = jnp.where(bad, _NEG_CAND, kiota)
    first = jnp.min(km, axis=1)
    first = jnp.where(first == _NEG_CAND, 0, first)
    onehot = kiota == first[:, None]
    neg = jnp.sum(jnp.where(onehot, cand, 0), axis=1)

    riota = lax.broadcasted_iota(jnp.int32, (_B, _B), 0)
    negidx_ref[...] = riota * _NCLASS + neg[None, :]

    labels_pad = jnp.concatenate(
        [labels, jnp.zeros((_B, _POS_PAD - _LPOS), jnp.int32)], axis=1)
    riota2 = lax.broadcasted_iota(jnp.int32, (_B, _POS_PAD), 0)
    posidx_ref[...] = riota2 * _NCLASS + labels_pad


def _stage1(labels, sessions, cand):
    return pl.pallas_call(
        _stage1_body,
        out_shape=(
            jax.ShapeDtypeStruct((_B, _B), jnp.int32),
            jax.ShapeDtypeStruct((_B, _POS_PAD), jnp.int32),
        ),
    )(labels, sessions, cand)


_UNROLL = 8
_N_OUTER = _CHUNKS_PER_W // _UNROLL


def _stage2_body(table_hbm, idx_hbm, out_hbm, idx_v, vals_v, sem):
    wid = lax.axis_index("s") * _NC + lax.axis_index("c")
    row0 = wid * _CHUNKS_PER_W

    pltpu.sync_copy(idx_hbm.at[pl.ds(row0, _CHUNKS_PER_W)], idx_v)

    def fire(c, carry):
        for j in range(_UNROLL):
            r = c * _UNROLL + j
            pltpu.async_copy(table_hbm.at[idx_v.at[r]], vals_v.at[r], sem)
        return carry

    lax.fori_loop(0, _N_OUTER, fire, 0)

    pltpu.make_async_copy(
        out_hbm.at[pl.ds(row0, _CHUNKS_PER_W)], vals_v, sem).wait()

    pltpu.sync_copy(vals_v, out_hbm.at[pl.ds(row0, _CHUNKS_PER_W)])


def _stage2(table, idx_all):
    mesh = plsc.VectorSubcoreMesh(core_axis_name="c", subcore_axis_name="s")
    k = functools.partial(
        pl.kernel,
        mesh=mesh,
        out_type=jax.ShapeDtypeStruct((_N_CHUNKS, _CHUNK), jnp.float32),
        scratch_types=[
            pltpu.VMEM((_CHUNKS_PER_W, _CHUNK), jnp.int32),
            pltpu.VMEM((_CHUNKS_PER_W, _CHUNK), jnp.float32),
            pltpu.SemaphoreType.DMA,
        ],
    )(_stage2_body)
    return k(table, idx_all)


def _stage3_body(scores_ref, out_ref):
    s = scores_ref[...]
    sneg = s[: _N_NEG // 128, :]
    spos = s[_N_NEG // 128:, :]
    neg_prob = jax.nn.sigmoid(sneg)
    neg_e = -jnp.log(1.0 - neg_prob + 1e-10)
    neg_sum = jnp.sum(neg_e)
    col = lax.broadcasted_iota(jnp.int32, (_N_POS // 128, 128), 1)
    valid = (col % _POS_PAD) < _LPOS
    pos_prob = jax.nn.sigmoid(spos)
    pos_e = -jnp.log(pos_prob + 1e-10)
    pos_sum = jnp.sum(jnp.where(valid, pos_e, 0.0))
    loss = neg_sum / _B + pos_sum / (_B * _LPOS)
    out_ref[...] = jnp.reshape(loss, (1, 1))


def _stage3(scores):
    return pl.pallas_call(
        _stage3_body,
        out_shape=jax.ShapeDtypeStruct((1, 1), jnp.float32),
    )(scores)


def kernel(outputs, labels, sessions):
    cand = jnp.asarray(_CAND)
    negidx, posidx = _stage1(labels, sessions, cand)
    idx_all = jnp.concatenate(
        [negidx.reshape(-1), posidx.reshape(-1)]).reshape(_N_CHUNKS, _CHUNK)
    table = outputs.reshape(_B * _NCLASS)
    scores = _stage2(table, idx_all)
    loss = _stage3(scores)
    return loss.reshape(())

# --- scband reference (transcript-rebuilt; emitter-appended) ---
"""Pipeline reference for scband-bce-loss-mt-31164282700295 (READ-ONLY COPY).

The authoritative reference and input builder live on the scoring server;
editing this copy changes nothing except your own understanding.
"""

import jax, jax.numpy as jnp
import numpy as np

B = 1024
L_POS = 20
L_SESS = 50
NUM_CLASSES = 100000
NEG_CAND = 256

def setup_inputs(seed: int = 0) -> dict:
    key = jax.random.key(seed)
    k1, k2, k3 = jax.random.split(key, 3)
    outputs = jax.random.normal(k1, (B, NUM_CLASSES), dtype=jnp.float32)
    labels = jax.random.randint(k2, (B, L_POS), 0, NUM_CLASSES)
    sessions = jax.random.randint(k3, (B, L_SESS), 0, NUM_CLASSES)
    return {"outputs": outputs, "labels": labels, "sessions": sessions}

def _row_unique(x):
    L = x.shape[0]
    s = jnp.sort(x)
    is_new = jnp.concatenate([jnp.array([True]), s[1:] != s[:-1]])
    gid = jnp.cumsum(is_new) - 1
    uniq = jnp.full((L,), -1, dtype=s.dtype).at[gid].set(s)
    counts = jnp.zeros((L,), dtype=jnp.float32).at[gid].add(1.0)
    return uniq, counts

def _neg_sample(key, uniq, sess, num_classes):
    cand = jax.random.randint(key, (NEG_CAND,), 0, num_classes)
    bad = jnp.isin(cand, uniq) | jnp.isin(cand, sess)
    idx = jnp.argmax(~bad)
    return cand[idx]

def reference(outputs, labels, sessions):
    batch_size = labels.shape[0]
    num_classes = outputs.shape[1]
    # per-row unique positive labels with counts, padded with -1 / 0
    unique_pos_batch, counts_batch = jax.vmap(_row_unique)(labels)
    valid_pos_mask = (unique_pos_batch != -1).astype(jnp.float32)
    # negative sampling: first random class not in positives or session
    nkey = jax.random.key(42)
    nkeys = jax.random.split(nkey, batch_size)
    neg_samples = jax.vmap(lambda k, u, s: _neg_sample(k, u, s, num_classes))(nkeys, unique_pos_batch, sessions)
    # positive term
    pos_scores = jnp.take_along_axis(outputs, jnp.clip(unique_pos_batch, 0, None), axis=1) * valid_pos_mask
    pos_prob = jax.nn.sigmoid(pos_scores)
    pos_entropy = -jnp.log(pos_prob + 1e-10)
    pos_entropy = pos_entropy * counts_batch / jnp.sum(counts_batch, axis=1, keepdims=True)
    pos_entropy = pos_entropy * valid_pos_mask
    pos_entropy = jnp.sum(pos_entropy) / batch_size
    # negative term (outputs[:, neg_samples] -> [B, B], faithful to torch)
    neg_scores = jnp.take(outputs, neg_samples, axis=1)
    neg_prob = jax.nn.sigmoid(neg_scores)
    neg_entropy = -jnp.log(1.0 - neg_prob + 1e-10)
    neg_entropy = jnp.sum(neg_entropy) / batch_size
    return pos_entropy + neg_entropy

if __name__ == "__main__":
    import jax
    _d = setup_inputs()
    print(jax.jit(kernel)(*tuple(_d.values())))

</pallas_src>

<mosaic_0001>
#map = affine_map<(d0, d1) -> (0)>
#map1 = affine_map<(d0, d1) -> (0, 0)>
module attributes {stable_mosaic.version = 14 : i64} {
  func.func @_stage2_body(%arg0: i32, %arg1: i32, %arg2: memref<102400000xf32, #tpu.memory_space<hbm>>, %arg3: memref<8448x128xi32, #tpu.memory_space<hbm>>, %arg4: memref<8448x128xf32, #tpu.memory_space<hbm>>, %arg5: memref<264x128xi32, #tpu.memory_space<vmem>>, %arg6: memref<264x128xf32, #tpu.memory_space<vmem>>, %arg7: memref<!tpu.dma_semaphore, #tpu.memory_space<semaphore_mem>>) attributes {dimension_semantics = [#tpu.dimension_semantics<core_parallel>, #tpu.dimension_semantics<subcore_parallel>], iteration_bounds = array<i64: 2, 16>, scalar_prefetch = 0 : i64, scratch_operands = 3 : i64, tpu.core_type = #tpu.core_type<sc_vector_subcore>, window_params = [{transform_indices = #map}, {transform_indices = #map1}, {transform_indices = #map1}]} {
    %mul3A = arith.constant 2 : i32
    %mul3A_0 = arith.muli %arg1, %mul3A : i32
    %add3A = arith.addi %mul3A_0, %arg0 : i32
    %mul3A_1 = arith.constant 264 : i32
    %mul3A_2 = arith.muli %add3A, %mul3A_1 : i32
    "tpu.region"() ({
      %run_scoped3A = tpu.sem_alloc : memref<!tpu.dma_semaphore, #tpu.memory_space<semaphore_mem>>
      %dma_start3A = arith.constant 0 : i32
      %dma_start3A_11 = tpu.memref_slice %arg3[%mul3A_2, %dma_start3A] : memref<8448x128xi32, #tpu.memory_space<hbm>> -> memref<264x128xi32, #tpu.memory_space<hbm>>
      %dma_start3A_12 = arith.constant 0 : i32
      %dma_start3A_13 = tpu.memref_slice %arg3[%mul3A_2, %dma_start3A_12] : memref<8448x128xi32, #tpu.memory_space<hbm>> -> memref<264x128xi32, #tpu.memory_space<hbm>>
      tpu.enqueue_dma source(%dma_start3A_13 : memref<264x128xi32, #tpu.memory_space<hbm>>) target(%arg5 : memref<264x128xi32, #tpu.memory_space<vmem>>) target_semaphore(%run_scoped3A : memref<!tpu.dma_semaphore, #tpu.memory_space<semaphore_mem>>)
      %dma_wait3A_14 = arith.constant 0 : i32
      %dma_wait3A_15 = tpu.memref_slice %arg3[%mul3A_2, %dma_wait3A_14] : memref<8448x128xi32, #tpu.memory_space<hbm>> -> memref<264x128xi32, #tpu.memory_space<hbm>>
      %dma_wait3A_16 = arith.constant 0 : i32
      %dma_wait3A_17 = tpu.memref_slice %arg3[%mul3A_2, %dma_wait3A_16] : memref<8448x128xi32, #tpu.memory_space<hbm>> -> memref<264x128xi32, #tpu.memory_space<hbm>>
      tpu.wait_dma2 semaphore(%run_scoped3A : memref<!tpu.dma_semaphore, #tpu.memory_space<semaphore_mem>>) src(%dma_wait3A_17 : memref<264x128xi32, #tpu.memory_space<hbm>>) dst(%arg5 : memref<264x128xi32, #tpu.memory_space<vmem>>)
      tpu.yield
    }) : () -> ()
    %scan3A = arith.constant 0 : i32
    %scan3A_3 = arith.constant 0 : i32
    %scan3A_4 = arith.constant 33 : i32
    %scan3A_5 = arith.addi %scan3A_3, %scan3A_4 : i32
    %scan3A_6 = arith.constant 1 : i32
    scf.for %scan3A_11 = %scan3A_3 to %scan3A_5 step %scan3A_6  : i32 {
      %mul3A_12 = arith.constant 8 : i32
      %mul3A_13 = arith.muli %scan3A_11, %mul3A_12 : i32
      %add3A_14 = arith.constant 0 : i32
      %add3A_15 = arith.addi %mul3A_13, %add3A_14 : i32
      %dma_start3A = arith.constant 0 : i32
      %dma_start3A_16 = tpu.memref_slice %arg6[%add3A_15, %dma_start3A] : memref<264x128xf32, #tpu.memory_space<vmem>> -> memref<1x128xf32, #tpu.memory_space<vmem>>
      %dma_start3A_17 = tpu.memref_squeeze %dma_start3A_16 : memref<1x128xf32, #tpu.memory_space<vmem>> -> memref<128xf32, #tpu.memory_space<vmem>>
      %dma_start3A_18 = arith.constant 0 : i32
      %dma_start3A_19 = tpu.memref_slice %arg5[%add3A_15, %dma_start3A_18] : memref<264x128xi32, #tpu.memory_space<vmem>> -> memref<1x128xi32, #tpu.memory_space<vmem>>
      %dma_start3A_20 = tpu.memref_squeeze %dma_start3A_19 : memref<1x128xi32, #tpu.memory_space<vmem>> -> memref<128xi32, #tpu.memory_space<vmem>>
      %dma_start3A_21 = arith.constant 0 : i32
      %dma_start3A_22 = tpu.memref_slice %arg2[%dma_start3A_21] : memref<102400000xf32, #tpu.memory_space<hbm>> -> memref<102400000xf32, #tpu.memory_space<hbm>>
      tpu.enqueue_indirect_dma source(%dma_start3A_22 : memref<102400000xf32, #tpu.memory_space<hbm>>) target(%dma_start3A_17 : memref<128xf32, #tpu.memory_space<vmem>>) offsets(%dma_start3A_20 : memref<128xi32, #tpu.memory_space<vmem>>) semaphore(%arg7 : memref<!tpu.dma_semaphore, #tpu.memory_space<semaphore_mem>>)
      %mul3A_23 = arith.constant 8 : i32
      %mul3A_24 = arith.muli %scan3A_11, %mul3A_23 : i32
      %add3A_25 = arith.constant 1 : i32
      %add3A_26 = arith.addi %mul3A_24, %add3A_25 : i32
      %dma_start3A_27 = arith.constant 0 : i32
      %dma_start3A_28 = tpu.memref_slice %arg6[%add3A_26, %dma_start3A_27] : memref<264x128xf32, #tpu.memory_space<vmem>> -> memref<1x128xf32, #tpu.memory_space<vmem>>
      %dma_start3A_29 = tpu.memref_squeeze %dma_start3A_28 : memref<1x128xf32, #tpu.memory_space<vmem>> -> memref<128xf32, #tpu.memory_space<vmem>>
      %dma_start3A_30 = arith.constant 0 : i32
      %dma_start3A_31 = tpu.memref_slice %arg5[%add3A_26, %dma_start3A_30] : memref<264x128xi32, #tpu.memory_space<vmem>> -> memref<1x128xi32, #tpu.memory_space<vmem>>
      %dma_start3A_32 = tpu.memref_squeeze %dma_start3A_31 : memref<1x128xi32, #tpu.memory_space<vmem>> -> memref<128xi32, #tpu.memory_space<vmem>>
      %dma_start3A_33 = arith.constant 0 : i32
      %dma_start3A_34 = tpu.memref_slice %arg2[%dma_start3A_33] : memref<102400000xf32, #tpu.memory_space<hbm>> -> memref<102400000xf32, #tpu.memory_space<hbm>>
      tpu.enqueue_indirect_dma source(%dma_start3A_34 : memref<102400000xf32, #tpu.memory_space<hbm>>) target(%dma_start3A_29 : memref<128xf32, #tpu.memory_space<vmem>>) offsets(%dma_start3A_32 : memref<128xi32, #tpu.memory_space<vmem>>) semaphore(%arg7 : memref<!tpu.dma_semaphore, #tpu.memory_space<semaphore_mem>>)
      %mul3A_35 = arith.constant 8 : i32
      %mul3A_36 = arith.muli %scan3A_11, %mul3A_35 : i32
      %add3A_37 = arith.constant 2 : i32
      %add3A_38 = arith.addi %mul3A_36, %add3A_37 : i32
      %dma_start3A_39 = arith.constant 0 : i32
      %dma_start3A_40 = tpu.memref_slice %arg6[%add3A_38, %dma_start3A_39] : memref<264x128xf32, #tpu.memory_space<vmem>> -> memref<1x128xf32, #tpu.memory_space<vmem>>
      %dma_start3A_41 = tpu.memref_squeeze %dma_start3A_40 : memref<1x128xf32, #tpu.memory_space<vmem>> -> memref<128xf32, #tpu.memory_space<vmem>>
      %dma_start3A_42 = arith.constant 0 : i32
      %dma_start3A_43 = tpu.memref_slice %arg5[%add3A_38, %dma_start3A_42] : memref<264x128xi32, #tpu.memory_space<vmem>> -> memref<1x128xi32, #tpu.memory_space<vmem>>
      %dma_start3A_44 = tpu.memref_squeeze %dma_start3A_43 : memref<1x128xi32, #tpu.memory_space<vmem>> -> memref<128xi32, #tpu.memory_space<vmem>>
      %dma_start3A_45 = arith.constant 0 : i32
      %dma_start3A_46 = tpu.memref_slice %arg2[%dma_start3A_45] : memref<102400000xf32, #tpu.memory_space<hbm>> -> memref<102400000xf32, #tpu.memory_space<hbm>>
      tpu.enqueue_indirect_dma source(%dma_start3A_46 : memref<102400000xf32, #tpu.memory_space<hbm>>) target(%dma_start3A_41 : memref<128xf32, #tpu.memory_space<vmem>>) offsets(%dma_start3A_44 : memref<128xi32, #tpu.memory_space<vmem>>) semaphore(%arg7 : memref<!tpu.dma_semaphore, #tpu.memory_space<semaphore_mem>>)
      %mul3A_47 = arith.constant 8 : i32
      %mul3A_48 = arith.muli %scan3A_11, %mul3A_47 : i32
      %add3A_49 = arith.constant 3 : i32
      %add3A_50 = arith.addi %mul3A_48, %add3A_49 : i32
      %dma_start3A_51 = arith.constant 0 : i32
      %dma_start3A_52 = tpu.memref_slice %arg6[%add3A_50, %dma_start3A_51] : memref<264x128xf32, #tpu.memory_space<vmem>> -> memref<1x128xf32, #tpu.memory_space<vmem>>
      %dma_start3A_53 = tpu.memref_squeeze %dma_start3A_52 : memref<1x128xf32, #tpu.memory_space<vmem>> -> memref<128xf32, #tpu.memory_space<vmem>>
      %dma_start3A_54 = arith.constant 0 : i32
      %dma_start3A_55 = tpu.memref_slice %arg5[%add3A_50, %dma_start3A_54] : memref<264x128xi32, #tpu.memory_space<vmem>> -> memref<1x128xi32, #tpu.memory_space<vmem>>
      %dma_start3A_56 = tpu.memref_squeeze %dma_start3A_55 : memref<1x128xi32, #tpu.memory_space<vmem>> -> memref<128xi32, #tpu.memory_space<vmem>>
      %dma_start3A_57 = arith.constant 0 : i32
      %dma_start3A_58 = tpu.memref_slice %arg2[%dma_start3A_57] : memref<102400000xf32, #tpu.memory_space<hbm>> -> memref<102400000xf32, #tpu.memory_space<hbm>>
      tpu.enqueue_indirect_dma source(%dma_start3A_58 : memref<102400000xf32, #tpu.memory_space<hbm>>) target(%dma_start3A_53 : memref<128xf32, #tpu.memory_space<vmem>>) offsets(%dma_start3A_56 : memref<128xi32, #tpu.memory_space<vmem>>) semaphore(%arg7 : memref<!tpu.dma_semaphore, #tpu.memory_space<semaphore_mem>>)
      %mul3A_59 = arith.constant 8 : i32
      %mul3A_60 = arith.muli %scan3A_11, %mul3A_59 : i32
      %add3A_61 = arith.constant 4 : i32
      %add3A_62 = arith.addi %mul3A_60, %add3A_61 : i32
      %dma_start3A_63 = arith.constant 0 : i32
      %dma_start3A_64 = tpu.memref_slice %arg6[%add3A_62, %dma_start3A_63] : memref<264x128xf32, #tpu.memory_space<vmem>> -> memref<1x128xf32, #tpu.memory_space<vmem>>
      %dma_start3A_65 = tpu.memref_squeeze %dma_start3A_64 : memref<1x128xf32, #tpu.memory_space<vmem>> -> memref<128xf32, #tpu.memory_space<vmem>>
      %dma_start3A_66 = arith.constant 0 : i32
      %dma_start3A_67 = tpu.memref_slice %arg5[%add3A_62, %dma_start3A_66] : memref<264x128xi32, #tpu.memory_space<vmem>> -> memref<1x128xi32, #tpu.memory_space<vmem>>
      %dma_start3A_68 = tpu.memref_squeeze %dma_start3A_67 : memref<1x128xi32, #tpu.memory_space<vmem>> -> memref<128xi32, #tpu.memory_space<vmem>>
      %dma_start3A_69 = arith.constant 0 : i32
      %dma_start3A_70 = tpu.memref_slice %arg2[%dma_start3A_69] : memref<102400000xf32, #tpu.memory_space<hbm>> -> memref<102400000xf32, #tpu.memory_space<hbm>>
      tpu.enqueue_indirect_dma source(%dma_start3A_70 : memref<102400000xf32, #tpu.memory_space<hbm>>) target(%dma_start3A_65 : memref<128xf32, #tpu.memory_space<vmem>>) offsets(%dma_start3A_68 : memref<128xi32, #tpu.memory_space<vmem>>) semaphore(%arg7 : memref<!tpu.dma_semaphore, #tpu.memory_space<semaphore_mem>>)
      %mul3A_71 = arith.constant 8 : i32
      %mul3A_72 = arith.muli %scan3A_11, %mul3A_71 : i32
      %add3A_73 = arith.constant 5 : i32
      %add3A_74 = arith.addi %mul3A_72, %add3A_73 : i32
      %dma_start3A_75 = arith.constant 0 : i32
      %dma_start3A_76 = tpu.memref_slice %arg6[%add3A_74, %dma_start3A_75] : memref<264x128xf32, #tpu.memory_space<vmem>> -> memref<1x128xf32, #tpu.memory_space<vmem>>
      %dma_start3A_77 = tpu.memref_squeeze %dma_start3A_76 : memref<1x128xf32, #tpu.memory_space<vmem>> -> memref<128xf32, #tpu.memory_space<vmem>>
      %dma_start3A_78 = arith.constant 0 : i32
      %dma_start3A_79 = tpu.memref_slice %arg5[%add3A_74, %dma_start3A_78] : memref<264x128xi32, #tpu.memory_space<vmem>> -> memref<1x128xi32, #tpu.memory_space<vmem>>
      %dma_start3A_80 = tpu.memref_squeeze %dma_start3A_79 : memref<1x128xi32, #tpu.memory_space<vmem>> -> memref<128xi32, #tpu.memory_space<vmem>>
      %dma_start3A_81 = arith.constant 0 : i32
      %dma_start3A_82 = tpu.memref_slice %arg2[%dma_start3A_81] : memref<102400000xf32, #tpu.memory_space<hbm>> -> memref<102400000xf32, #tpu.memory_space<hbm>>
      tpu.enqueue_indirect_dma source(%dma_start3A_82 : memref<102400000xf32, #tpu.memory_space<hbm>>) target(%dma_start3A_77 : memref<128xf32, #tpu.memory_space<vmem>>) offsets(%dma_start3A_80 : memref<128xi32, #tpu.memory_space<vmem>>) semaphore(%arg7 : memref<!tpu.dma_semaphore, #tpu.memory_space<semaphore_mem>>)
      %mul3A_83 = arith.constant 8 : i32
      %mul3A_84 = arith.muli %scan3A_11, %mul3A_83 : i32
      %add3A_85 = arith.constant 6 : i32
      %add3A_86 = arith.addi %mul3A_84, %add3A_85 : i32
      %dma_start3A_87 = arith.constant 0 : i32
      %dma_start3A_88 = tpu.memref_slice %arg6[%add3A_86, %dma_start3A_87] : memref<264x128xf32, #tpu.memory_space<vmem>> -> memref<1x128xf32, #tpu.memory_space<vmem>>
      %dma_start3A_89 = tpu.memref_squeeze %dma_start3A_88 : memref<1x128xf32, #tpu.memory_space<vmem>> -> memref<128xf32, #tpu.memory_space<vmem>>
      %dma_start3A_90 = arith.constant 0 : i32
      %dma_start3A_91 = tpu.memref_slice %arg5[%add3A_86, %dma_start3A_90] : memref<264x128xi32, #tpu.memory_space<vmem>> -> memref<1x128xi32, #tpu.memory_space<vmem>>
      %dma_start3A_92 = tpu.memref_squeeze %dma_start3A_91 : memref<1x128xi32, #tpu.memory_space<vmem>> -> memref<128xi32, #tpu.memory_space<vmem>>
      %dma_start3A_93 = arith.constant 0 : i32
      %dma_start3A_94 = tpu.memref_slice %arg2[%dma_start3A_93] : memref<102400000xf32, #tpu.memory_space<hbm>> -> memref<102400000xf32, #tpu.memory_space<hbm>>
      tpu.enqueue_indirect_dma source(%dma_start3A_94 : memref<102400000xf32, #tpu.memory_space<hbm>>) target(%dma_start3A_89 : memref<128xf32, #tpu.memory_space<vmem>>) offsets(%dma_start3A_92 : memref<128xi32, #tpu.memory_space<vmem>>) semaphore(%arg7 : memref<!tpu.dma_semaphore, #tpu.memory_space<semaphore_mem>>)
      %mul3A_95 = arith.constant 8 : i32
      %mul3A_96 = arith.muli %scan3A_11, %mul3A_95 : i32
      %add3A_97 = arith.constant 7 : i32
      %add3A_98 = arith.addi %mul3A_96, %add3A_97 : i32
      %dma_start3A_99 = arith.constant 0 : i32
      %dma_start3A_100 = tpu.memref_slice %arg6[%add3A_98, %dma_start3A_99] : memref<264x128xf32, #tpu.memory_space<vmem>> -> memref<1x128xf32, #tpu.memory_space<vmem>>
      %dma_start3A_101 = tpu.memref_squeeze %dma_start3A_100 : memref<1x128xf32, #tpu.memory_space<vmem>> -> memref<128xf32, #tpu.memory_space<vmem>>
      %dma_start3A_102 = arith.constant 0 : i32
      %dma_start3A_103 = tpu.memref_slice %arg5[%add3A_98, %dma_start3A_102] : memref<264x128xi32, #tpu.memory_space<vmem>> -> memref<1x128xi32, #tpu.memory_space<vmem>>
      %dma_start3A_104 = tpu.memref_squeeze %dma_start3A_103 : memref<1x128xi32, #tpu.memory_space<vmem>> -> memref<128xi32, #tpu.memory_space<vmem>>
      %dma_start3A_105 = arith.constant 0 : i32
      %dma_start3A_106 = tpu.memref_slice %arg2[%dma_start3A_105] : memref<102400000xf32, #tpu.memory_space<hbm>> -> memref<102400000xf32, #tpu.memory_space<hbm>>
      tpu.enqueue_indirect_dma source(%dma_start3A_106 : memref<102400000xf32, #tpu.memory_space<hbm>>) target(%dma_start3A_101 : memref<128xf32, #tpu.memory_space<vmem>>) offsets(%dma_start3A_104 : memref<128xi32, #tpu.memory_space<vmem>>) semaphore(%arg7 : memref<!tpu.dma_semaphore, #tpu.memory_space<semaphore_mem>>)
    }
    %scan3A_7 = arith.constant 33 : i32
    %dma_wait3A = arith.constant 0 : i32
    %dma_wait3A_8 = tpu.memref_slice %arg4[%mul3A_2, %dma_wait3A] : memref<8448x128xf32, #tpu.memory_space<hbm>> -> memref<264x128xf32, #tpu.memory_space<hbm>>
    %dma_wait3A_9 = arith.constant 0 : i32
    %dma_wait3A_10 = tpu.memref_slice %arg4[%mul3A_2, %dma_wait3A_9] : memref<8448x128xf32, #tpu.memory_space<hbm>> -> memref<264x128xf32, #tpu.memory_space<hbm>>
    tpu.wait_dma2 semaphore(%arg7 : memref<!tpu.dma_semaphore, #tpu.memory_space<semaphore_mem>>) src(%dma_wait3A_10 : memref<264x128xf32, #tpu.memory_space<hbm>>) dst(%arg6 : memref<264x128xf32, #tpu.memory_space<vmem>>)
    "tpu.region"() ({
      %run_scoped3A = tpu.sem_alloc : memref<!tpu.dma_semaphore, #tpu.memory_space<semaphore_mem>>
      %dma_start3A = arith.constant 0 : i32
      %dma_start3A_11 = tpu.memref_slice %arg4[%mul3A_2, %dma_start3A] : memref<8448x128xf32, #tpu.memory_space<hbm>> -> memref<264x128xf32, #tpu.memory_space<hbm>>
      %dma_start3A_12 = arith.constant 0 : i32
      %dma_start3A_13 = tpu.memref_slice %arg4[%mul3A_2, %dma_start3A_12] : memref<8448x128xf32, #tpu.memory_space<hbm>> -> memref<264x128xf32, #tpu.memory_space<hbm>>
      tpu.enqueue_dma source(%arg6 : memref<264x128xf32, #tpu.memory_space<vmem>>) target(%dma_start3A_13 : memref<264x128xf32, #tpu.memory_space<hbm>>) target_semaphore(%run_scoped3A : memref<!tpu.dma_semaphore, #tpu.memory_space<semaphore_mem>>)
      %dma_wait3A_14 = arith.constant 0 : i32
      %dma_wait3A_15 = tpu.memref_slice %arg4[%mul3A_2, %dma_wait3A_14] : memref<8448x128xf32, #tpu.memory_space<hbm>> -> memref<264x128xf32, #tpu.memory_space<hbm>>
      %dma_wait3A_16 = arith.constant 0 : i32
      %dma_wait3A_17 = tpu.memref_slice %arg4[%mul3A_2, %dma_wait3A_16] : memref<8448x128xf32, #tpu.memory_space<hbm>> -> memref<264x128xf32, #tpu.memory_space<hbm>>
      tpu.wait_dma2 semaphore(%run_scoped3A : memref<!tpu.dma_semaphore, #tpu.memory_space<semaphore_mem>>) src(%arg6 : memref<264x128xf32, #tpu.memory_space<vmem>>) dst(%dma_wait3A_17 : memref<264x128xf32, #tpu.memory_space<hbm>>)
      tpu.yield
    }) : () -> ()
    return
  }
}

module attributes {stable_mosaic.version = 14 : i64} {
  func.func @_stage1_body(%arg0: memref<1024x20xi32, #tpu.memory_space<vmem>>, %arg1: memref<1024x50xi32, #tpu.memory_space<vmem>>, %arg2: memref<1024x256xi32, #tpu.memory_space<vmem>>, %arg3: memref<1024x1024xi32, #tpu.memory_space<vmem>>, %arg4: memref<1024x32xi32, #tpu.memory_space<vmem>>) attributes {dimension_semantics = [], scalar_prefetch = 0 : i64, scratch_operands = 0 : i64, tpu.core_type = #tpu.core_type<tc>} {
    %get3A = arith.constant 0 : index
    %get3A_0 = arith.constant 0 : index
    %get3A_1 = vector.load %arg0[%get3A, %get3A_0] : memref<1024x20xi32, #tpu.memory_space<vmem>>, vector<1024x20xi32>
    %get3A_2 = arith.constant 0 : index
    %get3A_3 = arith.constant 0 : index
    %get3A_4 = vector.load %arg1[%get3A_2, %get3A_3] : memref<1024x50xi32, #tpu.memory_space<vmem>>, vector<1024x50xi32>
    %get3A_5 = arith.constant 0 : index
    %get3A_6 = arith.constant 0 : index
    %get3A_7 = vector.load %arg2[%get3A_5, %get3A_6] : memref<1024x256xi32, #tpu.memory_space<vmem>>, vector<1024x256xi32>
    %broadcast_in_dim3A = arith.constant false
    %broadcast_in_dim3A_8 = vector.broadcast %broadcast_in_dim3A : i1 to vector<1024x256xi1>
    %slice3A = vector.extract_strided_slice %get3A_1 {offsets = [0, 0], sizes = [1024, 1], strides = [1, 1]} : vector<1024x20xi32> to vector<1024x1xi32>
    %squeeze3A = vector.shape_cast %slice3A : vector<1024x1xi32> to vector<1024xi32>
    %broadcast_in_dim3A_9 = vector.shape_cast %squeeze3A : vector<1024xi32> to vector<1024x1xi32>
    %eq3A = vector.broadcast %broadcast_in_dim3A_9 : vector<1024x1xi32> to vector<1024x256xi32>
    %eq3A_10 = arith.cmpi eq, %get3A_7, %eq3A : vector<1024x256xi32>
    %or3A = arith.ori %broadcast_in_dim3A_8, %eq3A_10 : vector<1024x256xi1>
    %slice3A_11 = vector.extract_strided_slice %get3A_1 {offsets = [0, 1], sizes = [1024, 1], strides = [1, 1]} : vector<1024x20xi32> to vector<1024x1xi32>
    %squeeze3A_12 = vector.shape_cast %slice3A_11 : vector<1024x1xi32> to vector<1024xi32>
    %broadcast_in_dim3A_13 = vector.shape_cast %squeeze3A_12 : vector<1024xi32> to vector<1024x1xi32>
    %eq3A_14 = vector.broadcast %broadcast_in_dim3A_13 : vector<1024x1xi32> to vector<1024x256xi32>
    %eq3A_15 = arith.cmpi eq, %get3A_7, %eq3A_14 : vector<1024x256xi32>
    %or3A_16 = arith.ori %or3A, %eq3A_15 : vector<1024x256xi1>
    %slice3A_17 = vector.extract_strided_slice %get3A_1 {offsets = [0, 2], sizes = [1024, 1], strides = [1, 1]} : vector<1024x20xi32> to vector<1024x1xi32>
    %squeeze3A_18 = vector.shape_cast %slice3A_17 : vector<1024x1xi32> to vector<1024xi32>
    %broadcast_in_dim3A_19 = vector.shape_cast %squeeze3A_18 : vector<1024xi32> to vector<1024x1xi32>
    %eq3A_20 = vector.broadcast %broadcast_in_dim3A_19 : vector<1024x1xi32> to vector<1024x256xi32>
    %eq3A_21 = arith.cmpi eq, %get3A_7, %eq3A_20 : vector<1024x256xi32>
    %or3A_22 = arith.ori %or3A_16, %eq3A_21 : vector<1024x256xi1>
    %slice3A_23 = vector.extract_strided_slice %get3A_1 {offsets = [0, 3], sizes = [1024, 1], strides = [1, 1]} : vector<1024x20xi32> to vector<1024x1xi32>
    %squeeze3A_24 = vector.shape_cast %slice3A_23 : vector<1024x1xi32> to vector<1024xi32>
    %broadcast_in_dim3A_25 = vector.shape_cast %squeeze3A_24 : vector<1024xi32> to vector<1024x1xi32>
    %eq3A_26 = vector.broadcast %broadcast_in_dim3A_25 : vector<1024x1xi32> to vector<1024x256xi32>
    %eq3A_27 = arith.cmpi eq, %get3A_7, %eq3A_26 : vector<1024x256xi32>
    %or3A_28 = arith.ori %or3A_22, %eq3A_27 : vector<1024x256xi1>
    %slice3A_29 = vector.extract_strided_slice %get3A_1 {offsets = [0, 4], sizes = [1024, 1], strides = [1, 1]} : vector<1024x20xi32> to vector<1024x1xi32>
    %squeeze3A_30 = vector.shape_cast %slice3A_29 : vector<1024x1xi32> to vector<1024xi32>
    %broadcast_in_dim3A_31 = vector.shape_cast %squeeze3A_30 : vector<1024xi32> to vector<1024x1xi32>
    %eq3A_32 = vector.broadcast %broadcast_in_dim3A_31 : vector<1024x1xi32> to vector<1024x256xi32>
    %eq3A_33 = arith.cmpi eq, %get3A_7, %eq3A_32 : vector<1024x256xi32>
    %or3A_34 = arith.ori %or3A_28, %eq3A_33 : vector<1024x256xi1>
    %slice3A_35 = vector.extract_strided_slice %get3A_1 {offsets = [0, 5], sizes = [1024, 1], strides = [1, 1]} : vector<1024x20xi32> to vector<1024x1xi32>
    %squeeze3A_36 = vector.shape_cast %slice3A_35 : vector<1024x1xi32> to vector<1024xi32>
    %broadcast_in_dim3A_37 = vector.shape_cast %squeeze3A_36 : vector<1024xi32> to vector<1024x1xi32>
    %eq3A_38 = vector.broadcast %broadcast_in_dim3A_37 : vector<1024x1xi32> to vector<1024x256xi32>
    %eq3A_39 = arith.cmpi eq, %get3A_7, %eq3A_38 : vector<1024x256xi32>
    %or3A_40 = arith.ori %or3A_34, %eq3A_39 : vector<1024x256xi1>
    %slice3A_41 = vector.extract_strided_slice %get3A_1 {offsets = [0, 6], sizes = [1024, 1], strides = [1, 1]} : vector<1024x20xi32> to vector<1024x1xi32>
    %squeeze3A_42 = vector.shape_cast %slice3A_41 : vector<1024x1xi32> to vector<1024xi32>
    %broadcast_in_dim3A_43 = vector.shape_cast %squeeze3A_42 : vector<1024xi32> to vector<1024x1xi32>
    %eq3A_44 = vector.broadcast %broadcast_in_dim3A_43 : vector<1024x1xi32> to vector<1024x256xi32>
    %eq3A_45 = arith.cmpi eq, %get3A_7, %eq3A_44 : vector<1024x256xi32>
    %or3A_46 = arith.ori %or3A_40, %eq3A_45 : vector<1024x256xi1>
    %slice3A_47 = vector.extract_strided_slice %get3A_1 {offsets = [0, 7], sizes = [1024, 1], strides = [1, 1]} : vector<1024x20xi32> to vector<1024x1xi32>
    %squeeze3A_48 = vector.shape_cast %slice3A_47 : vector<1024x1xi32> to vector<1024xi32>
    %broadcast_in_dim3A_49 = vector.shape_cast %squeeze3A_48 : vector<1024xi32> to vector<1024x1xi32>
    %eq3A_50 = vector.broadcast %broadcast_in_dim3A_49 : vector<1024x1xi32> to vector<1024x256xi32>
    %eq3A_51 = arith.cmpi eq, %get3A_7, %eq3A_50 : vector<1024x256xi32>
    %or3A_52 = arith.ori %or3A_46, %eq3A_51 : vector<1024x256xi1>
    %slice3A_53 = vector.extract_strided_slice %get3A_1 {offsets = [0, 8], sizes = [1024, 1], strides = [1, 1]} : vector<1024x20xi32> to vector<1024x1xi32>
    %squeeze3A_54 = vector.shape_cast %slice3A_53 : vector<1024x1xi32> to vector<1024xi32>
    %broadcast_in_dim3A_55 = vector.shape_cast %squeeze3A_54 : vector<1024xi32> to vector<1024x1xi32>
    %eq3A_56 = vector.broadcast %broadcast_in_dim3A_55 : vector<1024x1xi32> to vector<1024x256xi32>
    %eq3A_57 = arith.cmpi eq, %get3A_7, %eq3A_56 : vector<1024x256xi32>
    %or3A_58 = arith.ori %or3A_52, %eq3A_57 : vector<1024x256xi1>
    %slice3A_59 = vector.extract_strided_slice %get3A_1 {offsets = [0, 9], sizes = [1024, 1], strides = [1, 1]} : vector<1024x20xi32> to vector<1024x1xi32>
    %squeeze3A_60 = vector.shape_cast %slice3A_59 : vector<1024x1xi32> to vector<1024xi32>
    %broadcast_in_dim3A_61 = vector.shape_cast %squeeze3A_60 : vector<1024xi32> to vector<1024x1xi32>
    %eq3A_62 = vector.broadcast %broadcast_in_dim3A_61 : vector<1024x1xi32> to vector<1024x256xi32>
    %eq3A_63 = arith.cmpi eq, %get3A_7, %eq3A_62 : vector<1024x256xi32>
    %or3A_64 = arith.ori %or3A_58, %eq3A_63 : vector<1024x256xi1>
    %slice3A_65 = vector.extract_strided_slice %get3A_1 {offsets = [0, 10], sizes = [1024, 1], strides = [1, 1]} : vector<1024x20xi32> to vector<1024x1xi32>
    %squeeze3A_66 = vector.shape_cast %slice3A_65 : vector<1024x1xi32> to vector<1024xi32>
    %broadcast_in_dim3A_67 = vector.shape_cast %squeeze3A_66 : vector<1024xi32> to vector<1024x1xi32>
    %eq3A_68 = vector.broadcast %broadcast_in_dim3A_67 : vector<1024x1xi32> to vector<1024x256xi32>
    %eq3A_69 = arith.cmpi eq, %get3A_7, %eq3A_68 : vector<1024x256xi32>
    %or3A_70 = arith.ori %or3A_64, %eq3A_69 : vector<1024x256xi1>
    %slice3A_71 = vector.extract_strided_slice %get3A_1 {offsets = [0, 11], sizes = [1024, 1], strides = [1, 1]} : vector<1024x20xi32> to vector<1024x1xi32>
    %squeeze3A_72 = vector.shape_cast %slice3A_71 : vector<1024x1xi32> to vector<1024xi32>
    %broadcast_in_dim3A_73 = vector.shape_cast %squeeze3A_72 : vector<1024xi32> to vector<1024x1xi32>
    %eq3A_74 = vector.broadcast %broadcast_in_dim3A_73 : vector<1024x1xi32> to vector<1024x256xi32>
    %eq3A_75 = arith.cmpi eq, %get3A_7, %eq3A_74 : vector<1024x256xi32>
    %or3A_76 = arith.ori %or3A_70, %eq3A_75 : vector<1024x256xi1>
    %slice3A_77 = vector.extract_strided_slice %get3A_1 {offsets = [0, 12], sizes = [1024, 1], strides = [1, 1]} : vector<1024x20xi32> to vector<1024x1xi32>
    %squeeze3A_78 = vector.shape_cast %slice3A_77 : vector<1024x1xi32> to vector<1024xi32>
    %broadcast_in_dim3A_79 = vector.shape_cast %squeeze3A_78 : vector<1024xi32> to vector<1024x1xi32>
    %eq3A_80 = vector.broadcast %broadcast_in_dim3A_79 : vector<1024x1xi32> to vector<1024x256xi32>
    %eq3A_81 = arith.cmpi eq, %get3A_7, %eq3A_80 : vector<1024x256xi32>
    %or3A_82 = arith.ori %or3A_76, %eq3A_81 : vector<1024x256xi1>
    %slice3A_83 = vector.extract_strided_slice %get3A_1 {offsets = [0, 13], sizes = [1024, 1], strides = [1, 1]} : vector<1024x20xi32> to vector<1024x1xi32>
    %squeeze3A_84 = vector.shape_cast %slice3A_83 : vector<1024x1xi32> to vector<1024xi32>
    %broadcast_in_dim3A_85 = vector.shape_cast %squeeze3A_84 : vector<1024xi32> to vector<1024x1xi32>
    %eq3A_86 = vector.broadcast %broadcast_in_dim3A_85 : vector<1024x1xi32> to vector<1024x256xi32>
    %eq3A_87 = arith.cmpi eq, %get3A_7, %eq3A_86 : vector<1024x256xi32>
    %or3A_88 = arith.ori %or3A_82, %eq3A_87 : vector<1024x256xi1>
    %slice3A_89 = vector.extract_strided_slice %get3A_1 {offsets = [0, 14], sizes = [1024, 1], strides = [1, 1]} : vector<1024x20xi32> to vector<1024x1xi32>
    %squeeze3A_90 = vector.shape_cast %slice3A_89 : vector<1024x1xi32> to vector<1024xi32>
    %broadcast_in_dim3A_91 = vector.shape_cast %squeeze3A_90 : vector<1024xi32> to vector<1024x1xi32>
    %eq3A_92 = vector.broadcast %broadcast_in_dim3A_91 : vector<1024x1xi32> to vector<1024x256xi32>
    %eq3A_93 = arith.cmpi eq, %get3A_7, %eq3A_92 : vector<1024x256xi32>
    %or3A_94 = arith.ori %or3A_88, %eq3A_93 : vector<1024x256xi1>
    %slice3A_95 = vector.extract_strided_slice %get3A_1 {offsets = [0, 15], sizes = [1024, 1], strides = [1, 1]} : vector<1024x20xi32> to vector<1024x1xi32>
    %squeeze3A_96 = vector.shape_cast %slice3A_95 : vector<1024x1xi32> to vector<1024xi32>
    %broadcast_in_dim3A_97 = vector.shape_cast %squeeze3A_96 : vector<1024xi32> to vector<1024x1xi32>
    %eq3A_98 = vector.broadcast %broadcast_in_dim3A_97 : vector<1024x1xi32> to vector<1024x256xi32>
    %eq3A_99 = arith.cmpi eq, %get3A_7, %eq3A_98 : vector<1024x256xi32>
    %or3A_100 = arith.ori %or3A_94, %eq3A_99 : vector<1024x256xi1>
    %slice3A_101 = vector.extract_strided_slice %get3A_1 {offsets = [0, 16], sizes = [1024, 1], strides = [1, 1]} : vector<1024x20xi32> to vector<1024x1xi32>
    %squeeze3A_102 = vector.shape_cast %slice3A_101 : vector<1024x1xi32> to vector<1024xi32>
    %broadcast_in_dim3A_103 = vector.shape_cast %squeeze3A_102 : vector<1024xi32> to vector<1024x1xi32>
    %eq3A_104 = vector.broadcast %broadcast_in_dim3A_103 : vector<1024x1xi32> to vector<1024x256xi32>
    %eq3A_105 = arith.cmpi eq, %get3A_7, %eq3A_104 : vector<1024x256xi32>
    %or3A_106 = arith.ori %or3A_100, %eq3A_105 : vector<1024x256xi1>
    %slice3A_107 = vector.extract_strided_slice %get3A_1 {offsets = [0, 17], sizes = [1024, 1], strides = [1, 1]} : vector<1024x20xi32> to vector<1024x1xi32>
    %squeeze3A_108 = vector.shape_cast %slice3A_107 : vector<1024x1xi32> to vector<1024xi32>
    %broadcast_in_dim3A_109 = vector.shape_cast %squeeze3A_108 : vector<1024xi32> to vector<1024x1xi32>
    %eq3A_110 = vector.broadcast %broadcast_in_dim3A_109 : vector<1024x1xi32> to vector<1024x256xi32>
    %eq3A_111 = arith.cmpi eq, %get3A_7, %eq3A_110 : vector<1024x256xi32>
    %or3A_112 = arith.ori %or3A_106, %eq3A_111 : vector<1024x256xi1>
    %slice3A_113 = vector.extract_strided_slice %get3A_1 {offsets = [0, 18], sizes = [1024, 1], strides = [1, 1]} : vector<1024x20xi32> to vector<1024x1xi32>
    %squeeze3A_114 = vector.shape_cast %slice3A_113 : vector<1024x1xi32> to vector<1024xi32>
    %broadcast_in_dim3A_115 = vector.shape_cast %squeeze3A_114 : vector<1024xi32> to vector<1024x1xi32>
    %eq3A_116 = vector.broadcast %broadcast_in_dim3A_115 : vector<1024x1xi32> to vector<1024x256xi32>
    %eq3A_117 = arith.cmpi eq, %get3A_7, %eq3A_116 : vector<1024x256xi32>
    %or3A_118 = arith.ori %or3A_112, %eq3A_117 : vector<1024x256xi1>
    %slice3A_119 = vector.extract_strided_slice %get3A_1 {offsets = [0, 19], sizes = [1024, 1], strides = [1, 1]} : vector<1024x20xi32> to vector<1024x1xi32>
    %squeeze3A_120 = vector.shape_cast %slice3A_119 : vector<1024x1xi32> to vector<1024xi32>
    %broadcast_in_dim3A_121 = vector.shape_cast %squeeze3A_120 : vector<1024xi32> to vector<1024x1xi32>
    %eq3A_122 = vector.broadcast %broadcast_in_dim3A_121 : vector<1024x1xi32> to vector<1024x256xi32>
    %eq3A_123 = arith.cmpi eq, %get3A_7, %eq3A_122 : vector<1024x256xi32>
    %or3A_124 = arith.ori %or3A_118, %eq3A_123 : vector<1024x256xi1>
    %slice3A_125 = vector.extract_strided_slice %get3A_4 {offsets = [0, 0], sizes = [1024, 1], strides = [1, 1]} : vector<1024x50xi32> to vector<1024x1xi32>
    %squeeze3A_126 = vector.shape_cast %slice3A_125 : vector<1024x1xi32> to vector<1024xi32>
    %broadcast_in_dim3A_127 = vector.shape_cast %squeeze3A_126 : vector<1024xi32> to vector<1024x1xi32>
    %eq3A_128 = vector.broadcast %broadcast_in_dim3A_127 : vector<1024x1xi32> to vector<1024x256xi32>
    %eq3A_129 = arith.cmpi eq, %get3A_7, %eq3A_128 : vector<1024x256xi32>
    %or3A_130 = arith.ori %or3A_124, %eq3A_129 : vector<1024x256xi1>
    %slice3A_131 = vector.extract_strided_slice %get3A_4 {offsets = [0, 1], sizes = [1024, 1], strides = [1, 1]} : vector<1024x50xi32> to vector<1024x1xi32>
    %squeeze3A_132 = vector.shape_cast %slice3A_131 : vector<1024x1xi32> to vector<1024xi32>
    %broadcast_in_dim3A_133 = vector.shape_cast %squeeze3A_132 : vector<1024xi32> to vector<1024x1xi32>
    %eq3A_134 = vector.broadcast %broadcast_in_dim3A_133 : vector<1024x1xi32> to vector<1024x256xi32>
    %eq3A_135 = arith.cmpi eq, %get3A_7, %eq3A_134 : vector<1024x256xi32>
    %or3A_136 = arith.ori %or3A_130, %eq3A_135 : vector<1024x256xi1>
    %slice3A_137 = vector.extract_strided_slice %get3A_4 {offsets = [0, 2], sizes = [1024, 1], strides = [1, 1]} : vector<1024x50xi32> to vector<1024x1xi32>
    %squeeze3A_138 = vector.shape_cast %slice3A_137 : vector<1024x1xi32> to vector<1024xi32>
    %broadcast_in_dim3A_139 = vector.shape_cast %squeeze3A_138 : vector<1024xi32> to vector<1024x1xi32>
    %eq3A_140 = vector.broadcast %broadcast_in_dim3A_139 : vector<1024x1xi32> to vector<1024x256xi32>
    %eq3A_141 = arith.cmpi eq, %get3A_7, %eq3A_140 : vector<1024x256xi32>
    %or3A_142 = arith.ori %or3A_136, %eq3A_141 : vector<1024x256xi1>
    %slice3A_143 = vector.extract_strided_slice %get3A_4 {offsets = [0, 3], sizes = [1024, 1], strides = [1, 1]} : vector<1024x50xi32> to vector<1024x1xi32>
    %squeeze3A_144 = vector.shape_cast %slice3A_143 : vector<1024x1xi32> to vector<1024xi32>
    %broadcast_in_dim3A_145 = vector.shape_cast %squeeze3A_144 : vector<1024xi32> to vector<1024x1xi32>
    %eq3A_146 = vector.broadcast %broadcast_in_dim3A_145 : vector<1024x1xi32> to vector<1024x256xi32>
    %eq3A_147 = arith.cmpi eq, %get3A_7, %eq3A_146 : vector<1024x256xi32>
    %or3A_148 = arith.ori %or3A_142, %eq3A_147 : vector<1024x256xi1>
    %slice3A_149 = vector.extract_strided_slice %get3A_4 {offsets = [0, 4], sizes = [1024, 1], strides = [1, 1]} : vector<1024x50xi32> to vector<1024x1xi32>
    %squeeze3A_150 = vector.shape_cast %slice3A_149 : vector<1024x1xi32> to vector<1024xi32>
    %broadcast_in_dim3A_151 = vector.shape_cast %squeeze3A_150 : vector<1024xi32> to vector<1024x1xi32>
    %eq3A_152 = vector.broadcast %broadcast_in_dim3A_151 : vector<1024x1xi32> to vector<1024x256xi32>
    %eq3A_153 = arith.cmpi eq, %get3A_7, %eq3A_152 : vector<1024x256xi32>
    %or3A_154 = arith.ori %or3A_148, %eq3A_153 : vector<1024x256xi1>
    %slice3A_155 = vector.extract_strided_slice %get3A_4 {offsets = [0, 5], sizes = [1024, 1], strides = [1, 1]} : vector<1024x50xi32> to vector<1024x1xi32>
    %squeeze3A_156 = vector.shape_cast %slice3A_155 : vector<1024x1xi32> to vector<1024xi32>
    %broadcast_in_dim3A_157 = vector.shape_cast %squeeze3A_156 : vector<1024xi32> to vector<1024x1xi32>
    %eq3A_158 = vector.broadcast %broadcast_in_dim3A_157 : vector<1024x1xi32> to vector<1024x256xi32>
    %eq3A_159 = arith.cmpi eq, %get3A_7, %eq3A_158 : vector<1024x256xi32>
    %or3A_160 = arith.ori %or3A_154, %eq3A_159 : vector<1024x256xi1>
    %slice3A_161 = vector.extract_strided_slice %get3A_4 {offsets = [0, 6], sizes = [1024, 1], strides = [1, 1]} : vector<1024x50xi32> to vector<1024x1xi32>
    %squeeze3A_162 = vector.shape_cast %slice3A_161 : vector<1024x1xi32> to vector<1024xi32>
    %broadcast_in_dim3A_163 = vector.shape_cast %squeeze3A_162 : vector<1024xi32> to vector<1024x1xi32>
    %eq3A_164 = vector.broadcast %broadcast_in_dim3A_163 : vector<1024x1xi32> to vector<1024x256xi32>
    %eq3A_165 = arith.cmpi eq, %get3A_7, %eq3A_164 : vector<1024x256xi32>
    %or3A_166 = arith.ori %or3A_160, %eq3A_165 : vector<1024x256xi1>
    %slice3A_167 = vector.extract_strided_slice %get3A_4 {offsets = [0, 7], sizes = [1024, 1], strides = [1, 1]} : vector<1024x50xi32> to vector<1024x1xi32>
    %squeeze3A_168 = vector.shape_cast %slice3A_167 : vector<1024x1xi32> to vector<1024xi32>
    %broadcast_in_dim3A_169 = vector.shape_cast %squeeze3A_168 : vector<1024xi32> to vector<1024x1xi32>
    %eq3A_170 = vector.broadcast %broadcast_in_dim3A_169 : vector<1024x1xi32> to vector<1024x256xi32>
    %eq3A_171 = arith.cmpi eq, %get3A_7, %eq3A_170 : vector<1024x256xi32>
    %or3A_172 = arith.ori %or3A_166, %eq3A_171 : vector<1024x256xi1>
    %slice3A_173 = vector.extract_strided_slice %get3A_4 {offsets = [0, 8], sizes = [1024, 1], strides = [1, 1]} : vector<1024x50xi32> to vector<1024x1xi32>
    %squeeze3A_174 = vector.shape_cast %slice3A_173 : vector<1024x1xi32> to vector<1024xi32>
    %broadcast_in_dim3A_175 = vector.shape_cast %squeeze3A_174 : vector<1024xi32> to vector<1024x1xi32>
    %eq3A_176 = vector.broadcast %broadcast_in_dim3A_175 : vector<1024x1xi32> to vector<1024x256xi32>
    %eq3A_177 = arith.cmpi eq, %get3A_7, %eq3A_176 : vector<1024x256xi32>
    %or3A_178 = arith.ori %or3A_172, %eq3A_177 : vector<1024x256xi1>
    %slice3A_179 = vector.extract_strided_slice %get3A_4 {offsets = [0, 9], sizes = [1024, 1], strides = [1, 1]} : vector<1024x50xi32> to vector<1024x1xi32>
    %squeeze3A_180 = vector.shape_cast %slice3A_179 : vector<1024x1xi32> to vector<1024xi32>
    %broadcast_in_dim3A_181 = vector.shape_cast %squeeze3A_180 : vector<1024xi32> to vector<1024x1xi32>
    %eq3A_182 = vector.broadcast %broadcast_in_dim3A_181 : vector<1024x1xi32> to vector<1024x256xi32>
    %eq3A_183 = arith.cmpi eq, %get3A_7, %eq3A_182 : vector<1024x256xi32>
    %or3A_184 = arith.ori %or3A_178, %eq3A_183 : vector<1024x256xi1>
    %slice3A_185 = vector.extract_strided_slice %get3A_4 {offsets = [0, 10], sizes = [1024, 1], strides = [1, 1]} : vector<1024x50xi32> to vector<1024x1xi32>
    %squeeze3A_186 = vector.shape_cast %slice3A_185 : vector<1024x1xi32> to vector<1024xi32>
    %broadcast_in_dim3A_187 = vector.shape_cast %squeeze3A_186 : vector<1024xi32> to vector<1024x1xi32>
    %eq3A_188 = vector.broadcast %broadcast_in_dim3A_187 : vector<1024x1xi32> to vector<1024x256xi32>
    %eq3A_189 = arith.cmpi eq, %get3A_7, %eq3A_188 : vector<1024x256xi32>
    %or3A_190 = arith.ori %or3A_184, %eq3A_189 : vector<1024x256xi1>
    %slice3A_191 = vector.extract_strided_slice %get3A_4 {offsets = [0, 11], sizes = [1024, 1], strides = [1, 1]} : vector<1024x50xi32> to vector<1024x1xi32>
    %squeeze3A_192 = vector.shape_cast %slice3A_191 : vector<1024x1xi32> to vector<1024xi32>
    %broadcast_in_dim3A_193 = vector.shape_cast %squeeze3A_192 : vector<1024xi32> to vector<1024x1xi32>
    %eq3A_194 = vector.broadcast %broadcast_in_dim3A_193 : vector<1024x1xi32> to vector<1024x256xi32>
    %eq3A_195 = arith.cmpi eq, %get3A_7, %eq3A_194 : vector<1024x256xi32>
    %or3A_196 = arith.ori %or3A_190, %eq3A_195 : vector<1024x256xi1>
    %slice3A_197 = vector.extract_strided_slice %get3A_4 {offsets = [0, 12], sizes = [1024, 1], strides = [1, 1]} : vector<1024x50xi32> to vector<1024x1xi32>
    %squeeze3A_198 = vector.shape_cast %slice3A_197 : vector<1024x1xi32> to vector<1024xi32>
    %broadcast_in_dim3A_199 = vector.shape_cast %squeeze3A_198 : vector<1024xi32> to vector<1024x1xi32>
    %eq3A_200 = vector.broadcast %broadcast_in_dim3A_199 : vector<1024x1xi32> to vector<1024x256xi32>
    %eq3A_201 = arith.cmpi eq, %get3A_7, %eq3A_200 : vector<1024x256xi32>
    %or3A_202 = arith.ori %or3A_196, %eq3A_201 : vector<1024x256xi1>
    %slice3A_203 = vector.extract_strided_slice %get3A_4 {offsets = [0, 13], sizes = [1024, 1], strides = [1, 1]} : vector<1024x50xi32> to vector<1024x1xi32>
    %squeeze3A_204 = vector.shape_cast %slice3A_203 : vector<1024x1xi32> to vector<1024xi32>
    %broadcast_in_dim3A_205 = vector.shape_cast %squeeze3A_204 : vector<1024xi32> to vector<1024x1xi32>
    %eq3A_206 = vector.broadcast %broadcast_in_dim3A_205 : vector<1024x1xi32> to vector<1024x256xi32>
    %eq3A_207 = arith.cmpi eq, %get3A_7, %eq3A_206 : vector<1024x256xi32>
    %or3A_208 = arith.ori %or3A_202, %eq3A_207 : vector<1024x256xi1>
    %slice3A_209 = vector.extract_strided_slice %get3A_4 {offsets = [0, 14], sizes = [1024, 1], strides = [1, 1]} : vector<1024x50xi32> to vector<1024x1xi32>
    %squeeze3A_210 = vector.shape_cast %slice3A_209 : vector<1024x1xi32> to vector<1024xi32>
    %broadcast_in_dim3A_211 = vector.shape_cast %squeeze3A_210 : vector<1024xi32> to vector<1024x1xi32>
    %eq3A_212 = vector.broadcast %broadcast_in_dim3A_211 : vector<1024x1xi32> to vector<1024x256xi32>
    %eq3A_213 = arith.cmpi eq, %get3A_7, %eq3A_212 : vector<1024x256xi32>
    %or3A_214 = arith.ori %or3A_208, %eq3A_213 : vector<1024x256xi1>
    %slice3A_215 = vector.extract_strided_slice %get3A_4 {offsets = [0, 15], sizes = [1024, 1], strides = [1, 1]} : vector<1024x50xi32> to vector<1024x1xi32>
    %squeeze3A_216 = vector.shape_cast %slice3A_215 : vector<1024x1xi32> to vector<1024xi32>
    %broadcast_in_dim3A_217 = vector.shape_cast %squeeze3A_216 : vector<1024xi32> to vector<1024x1xi32>
    %eq3A_218 = vector.broadcast %broadcast_in_dim3A_217 : vector<1024x1xi32> to vector<1024x256xi32>
    %eq3A_219 = arith.cmpi eq, %get3A_7, %eq3A_218 : vector<1024x256xi32>
    %or3A_220 = arith.ori %or3A_214, %eq3A_219 : vector<1024x256xi1>
    %slice3A_221 = vector.extract_strided_slice %get3A_4 {offsets = [0, 16], sizes = [1024, 1], strides = [1, 1]} : vector<1024x50xi32> to vector<1024x1xi32>
    %squeeze3A_222 = vector.shape_cast %slice3A_221 : vector<1024x1xi32> to vector<1024xi32>
    %broadcast_in_dim3A_223 = vector.shape_cast %squeeze3A_222 : vector<1024xi32> to vector<1024x1xi32>
    %eq3A_224 = vector.broadcast %broadcast_in_dim3A_223 : vector<1024x1xi32> to vector<1024x256xi32>
    %eq3A_225 = arith.cmpi eq, %get3A_7, %eq3A_224 : vector<1024x256xi32>
    %or3A_226 = arith.ori %or3A_220, %eq3A_225 : vector<1024x256xi1>
    %slice3A_227 = vector.extract_strided_slice %get3A_4 {offsets = [0, 17], sizes = [1024, 1], strides = [1, 1]} : vector<1024x50xi32> to vector<1024x1xi32>
    %squeeze3A_228 = vector.shape_cast %slice3A_227 : vector<1024x1xi32> to vector<1024xi32>
    %broadcast_in_dim3A_229 = vector.shape_cast %squeeze3A_228 : vector<1024xi32> to vector<1024x1xi32>
    %eq3A_230 = vector.broadcast %broadcast_in_dim3A_229 : vector<1024x1xi32> to vector<1024x256xi32>
    %eq3A_231 = arith.cmpi eq, %get3A_7, %eq3A_230 : vector<1024x256xi32>
    %or3A_232 = arith.ori %or3A_226, %eq3A_231 : vector<1024x256xi1>
    %slice3A_233 = vector.extract_strided_slice %get3A_4 {offsets = [0, 18], sizes = [1024, 1], strides = [1, 1]} : vector<1024x50xi32> to vector<1024x1xi32>
    %squeeze3A_234 = vector.shape_cast %slice3A_233 : vector<1024x1xi32> to vector<1024xi32>
    %broadcast_in_dim3A_235 = vector.shape_cast %squeeze3A_234 : vector<1024xi32> to vector<1024x1xi32>
    %eq3A_236 = vector.broadcast %broadcast_in_dim3A_235 : vector<1024x1xi32> to vector<1024x256xi32>
    %eq3A_237 = arith.cmpi eq, %get3A_7, %eq3A_236 : vector<1024x256xi32>
    %or3A_238 = arith.ori %or3A_232, %eq3A_237 : vector<1024x256xi1>
    %slice3A_239 = vector.extract_strided_slice %get3A_4 {offsets = [0, 19], sizes = [1024, 1], strides = [1, 1]} : vector<1024x50xi32> to vector<1024x1xi32>
    %squeeze3A_240 = vector.shape_cast %slice3A_239 : vector<1024x1xi32> to vector<1024xi32>
    %broadcast_in_dim3A_241 = vector.shape_cast %squeeze3A_240 : vector<1024xi32> to vector<1024x1xi32>
    %eq3A_242 = vector.broadcast %broadcast_in_dim3A_241 : vector<1024x1xi32> to vector<1024x256xi32>
    %eq3A_243 = arith.cmpi eq, %get3A_7, %eq3A_242 : vector<1024x256xi32>
    %or3A_244 = arith.ori %or3A_238, %eq3A_243 : vector<1024x256xi1>
    %slice3A_245 = vector.extract_strided_slice %get3A_4 {offsets = [0, 20], sizes = [1024, 1], strides = [1, 1]} : vector<1024x50xi32> to vector<1024x1xi32>
    %squeeze3A_246 = vector.shape_cast %slice3A_245 : vector<1024x1xi32> to vector<1024xi32>
    %broadcast_in_dim3A_247 = vector.shape_cast %squeeze3A_246 : vector<1024xi32> to vector<1024x1xi32>
    %eq3A_248 = vector.broadcast %broadcast_in_dim3A_247 : vector<1024x1xi32> to vector<1024x256xi32>
    %eq3A_249 = arith.cmpi eq, %get3A_7, %eq3A_248 : vector<1024x256xi32>
    %or3A_250 = arith.ori %or3A_244, %eq3A_249 : vector<1024x256xi1>
    %slice3A_251 = vector.extract_strided_slice %get3A_4 {offsets = [0, 21], sizes = [1024, 1], strides = [1, 1]} : vector<1024x50xi32> to vector<1024x1xi32>
    %squeeze3A_252 = vector.shape_cast %slice3A_251 : vector<1024x1xi32> to vector<1024xi32>
    %broadcast_in_dim3A_253 = vector.shape_cast %squeeze3A_252 : vector<1024xi32> to vector<1024x1xi32>
    %eq3A_254 = vector.broadcast %broadcast_in_dim3A_253 : vector<1024x1xi32> to vector<1024x256xi32>
    %eq3A_255 = arith.cmpi eq, %get3A_7, %eq3A_254 : vector<1024x256xi32>
    %or3A_256 = arith.ori %or3A_250, %eq3A_255 : vector<1024x256xi1>
    %slice3A_257 = vector.extract_strided_slice %get3A_4 {offsets = [0, 22], sizes = [1024, 1], strides = [1, 1]} : vector<1024x50xi32> to vector<1024x1xi32>
    %squeeze3A_258 = vector.shape_cast %slice3A_257 : vector<1024x1xi32> to vector<1024xi32>
    %broadcast_in_dim3A_259 = vector.shape_cast %squeeze3A_258 : vector<1024xi32> to vector<1024x1xi32>
    %eq3A_260 = vector.broadcast %broadcast_in_dim3A_259 : vector<1024x1xi32> to vector<1024x256xi32>
    %eq3A_261 = arith.cmpi eq, %get3A_7, %eq3A_260 : vector<1024x256xi32>
    %or3A_262 = arith.ori %or3A_256, %eq3A_261 : vector<1024x256xi1>
    %slice3A_263 = vector.extract_strided_slice %get3A_4 {offsets = [0, 23], sizes = [1024, 1], strides = [1, 1]} : vector<1024x50xi32> to vector<1024x1xi32>
    %squeeze3A_264 = vector.shape_cast %slice3A_263 : vector<1024x1xi32> to vector<1024xi32>
    %broadcast_in_dim3A_265 = vector.shape_cast %squeeze3A_264 : vector<1024xi32> to vector<1024x1xi32>
    %eq3A_266 = vector.broadcast %broadcast_in_dim3A_265 : vector<1024x1xi32> to vector<1024x256xi32>
    %eq3A_267 = arith.cmpi eq, %get3A_7, %eq3A_266 : vector<1024x256xi32>
    %or3A_268 = arith.ori %or3A_262, %eq3A_267 : vector<1024x256xi1>
    %slice3A_269 = vector.extract_strided_slice %get3A_4 {offsets = [0, 24], sizes = [1024, 1], strides = [1, 1]} : vector<1024x50xi32> to vector<1024x1xi32>
    %squeeze3A_270 = vector.shape_cast %slice3A_269 : vector<1024x1xi32> to vector<1024xi32>
    %broadcast_in_dim3A_271 = vector.shape_cast %squeeze3A_270 : vector<1024xi32> to vector<1024x1xi32>
    %eq3A_272 = vector.broadcast %broadcast_in_dim3A_271 : vector<1024x1xi32> to vector<1024x256xi32>
    %eq3A_273 = arith.cmpi eq, %get3A_7, %eq3A_272 : vector<1024x256xi32>
    %or3A_274 = arith.ori %or3A_268, %eq3A_273 : vector<1024x256xi1>
    %slice3A_275 = vector.extract_strided_slice %get3A_4 {offsets = [0, 25], sizes = [1024, 1], strides = [1, 1]} : vector<1024x50xi32> to vector<1024x1xi32>
    %squeeze3A_276 = vector.shape_cast %slice3A_275 : vector<1024x1xi32> to vector<1024xi32>
    %broadcast_in_dim3A_277 = vector.shape_cast %squeeze3A_276 : vector<1024xi32> to vector<1024x1xi32>
    %eq3A_278 = vector.broadcast %broadcast_in_dim3A_277 : vector<1024x1xi32> to vector<1024x256xi32>
    %eq3A_279 = arith.cmpi eq, %get3A_7, %eq3A_278 : vector<1024x256xi32>
    %or3A_280 = arith.ori %or3A_274, %eq3A_279 : vector<1024x256xi1>
    %slice3A_281 = vector.extract_strided_slice %get3A_4 {offsets = [0, 26], sizes = [1024, 1], strides = [1, 1]} : vector<1024x50xi32> to vector<1024x1xi32>
    %squeeze3A_282 = vector.shape_cast %slice3A_281 : vector<1024x1xi32> to vector<1024xi32>
    %broadcast_in_dim3A_283 = vector.shape_cast %squeeze3A_282 : vector<1024xi32> to vector<1024x1xi32>
    %eq3A_284 = vector.broadcast %broadcast_in_dim3A_283 : vector<1024x1xi32> to vector<1024x256xi32>
    %eq3A_285 = arith.cmpi eq, %get3A_7, %eq3A_284 : vector<1024x256xi32>
    %or3A_286 = arith.ori %or3A_280, %eq3A_285 : vector<1024x256xi1>
    %slice3A_287 = vector.extract_strided_slice %get3A_4 {offsets = [0, 27], sizes = [1024, 1], strides = [1, 1]} : vector<1024x50xi32> to vector<1024x1xi32>
    %squeeze3A_288 = vector.shape_cast %slice3A_287 : vector<1024x1xi32> to vector<1024xi32>
    %broadcast_in_dim3A_289 = vector.shape_cast %squeeze3A_288 : vector<1024xi32> to vector<1024x1xi32>
    %eq3A_290 = vector.broadcast %broadcast_in_dim3A_289 : vector<1024x1xi32> to vector<1024x256xi32>
    %eq3A_291 = arith.cmpi eq, %get3A_7, %eq3A_290 : vector<1024x256xi32>
    %or3A_292 = arith.ori %or3A_286, %eq3A_291 : vector<1024x256xi1>
    %slice3A_293 = vector.extract_strided_slice %get3A_4 {offsets = [0, 28], sizes = [1024, 1], strides = [1, 1]} : vector<1024x50xi32> to vector<1024x1xi32>
    %squeeze3A_294 = vector.shape_cast %slice3A_293 : vector<1024x1xi32> to vector<1024xi32>
    %broadcast_in_dim3A_295 = vector.shape_cast %squeeze3A_294 : vector<1024xi32> to vector<1024x1xi32>
    %eq3A_296 = vector.broadcast %broadcast_in_dim3A_295 : vector<1024x1xi32> to vector<1024x256xi32>
    %eq3A_297 = arith.cmpi eq, %get3A_7, %eq3A_296 : vector<1024x256xi32>
    %or3A_298 = arith.ori %or3A_292, %eq3A_297 : vector<1024x256xi1>
    %slice3A_299 = vector.extract_strided_slice %get3A_4 {offsets = [0, 29], sizes = [1024, 1], strides = [1, 1]} : vector<1024x50xi32> to vector<1024x1xi32>
    %squeeze3A_300 = vector.shape_cast %slice3A_299 : vector<1024x1xi32> to vector<1024xi32>
    %broadcast_in_dim3A_301 = vector.shape_cast %squeeze3A_300 : vector<1024xi32> to vector<1024x1xi32>
    %eq3A_302 = vector.broadcast %broadcast_in_dim3A_301 : vector<1024x1xi32> to vector<1024x256xi32>
    %eq3A_303 = arith.cmpi eq, %get3A_7, %eq3A_302 : vector<1024x256xi32>
    %or3A_304 = arith.ori %or3A_298, %eq3A_303 : vector<1024x256xi1>
    %slice3A_305 = vector.extract_strided_slice %get3A_4 {offsets = [0, 30], sizes = [1024, 1], strides = [1, 1]} : vector<1024x50xi32> to vector<1024x1xi32>
    %squeeze3A_306 = vector.shape_cast %slice3A_305 : vector<1024x1xi32> to vector<1024xi32>
    %broadcast_in_dim3A_307 = vector.shape_cast %squeeze3A_306 : vector<1024xi32> to vector<1024x1xi32>
    %eq3A_308 = vector.broadcast %broadcast_in_dim3A_307 : vector<1024x1xi32> to vector<1024x256xi32>
    %eq3A_309 = arith.cmpi eq, %get3A_7, %eq3A_308 : vector<1024x256xi32>
    %or3A_310 = arith.ori %or3A_304, %eq3A_309 : vector<1024x256xi1>
    %slice3A_311 = vector.extract_strided_slice %get3A_4 {offsets = [0, 31], sizes = [1024, 1], strides = [1, 1]} : vector<1024x50xi32> to vector<1024x1xi32>
    %squeeze3A_312 = vector.shape_cast %slice3A_311 : vector<1024x1xi32> to vector<1024xi32>
    %broadcast_in_dim3A_313 = vector.shape_cast %squeeze3A_312 : vector<1024xi32> to vector<1024x1xi32>
    %eq3A_314 = vector.broadcast %broadcast_in_dim3A_313 : vector<1024x1xi32> to vector<1024x256xi32>
    %eq3A_315 = arith.cmpi eq, %get3A_7, %eq3A_314 : vector<1024x256xi32>
    %or3A_316 = arith.ori %or3A_310, %eq3A_315 : vector<1024x256xi1>
    %slice3A_317 = vector.extract_strided_slice %get3A_4 {offsets = [0, 32], sizes = [1024, 1], strides = [1, 1]} : vector<1024x50xi32> to vector<1024x1xi32>
    %squeeze3A_318 = vector.shape_cast %slice3A_317 : vector<1024x1xi32> to vector<1024xi32>
    %broadcast_in_dim3A_319 = vector.shape_cast %squeeze3A_318 : vector<1024xi32> to vector<1024x1xi32>
    %eq3A_320 = vector.broadcast %broadcast_in_dim3A_319 : vector<1024x1xi32> to vector<1024x256xi32>
    %eq3A_321 = arith.cmpi eq, %get3A_7, %eq3A_320 : vector<1024x256xi32>
    %or3A_322 = arith.ori %or3A_316, %eq3A_321 : vector<1024x256xi1>
    %slice3A_323 = vector.extract_strided_slice %get3A_4 {offsets = [0, 33], sizes = [1024, 1], strides = [1, 1]} : vector<1024x50xi32> to vector<1024x1xi32>
    %squeeze3A_324 = vector.shape_cast %slice3A_323 : vector<1024x1xi32> to vector<1024xi32>
    %broadcast_in_dim3A_325 = vector.shape_cast %squeeze3A_324 : vector<1024xi32> to vector<1024x1xi32>
    %eq3A_326 = vector.broadcast %broadcast_in_dim3A_325 : vector<1024x1xi32> to vector<1024x256xi32>
    %eq3A_327 = arith.cmpi eq, %get3A_7, %eq3A_326 : vector<1024x256xi32>
    %or3A_328 = arith.ori %or3A_322, %eq3A_327 : vector<1024x256xi1>
    %slice3A_329 = vector.extract_strided_slice %get3A_4 {offsets = [0, 34], sizes = [1024, 1], strides = [1, 1]} : vector<1024x50xi32> to vector<1024x1xi32>
    %squeeze3A_330 = vector.shape_cast %slice3A_329 : vector<1024x1xi32> to vector<1024xi32>
    %broadcast_in_dim3A_331 = vector.shape_cast %squeeze3A_330 : vector<1024xi32> to vector<1024x1xi32>
    %eq3A_332 = vector.broadcast %broadcast_in_dim3A_331 : vector<1024x1xi32> to vector<1024x256xi32>
    %eq3A_333 = arith.cmpi eq, %get3A_7, %eq3A_332 : vector<1024x256xi32>
    %or3A_334 = arith.ori %or3A_328, %eq3A_333 : vector<1024x256xi1>
    %slice3A_335 = vector.extract_strided_slice %get3A_4 {offsets = [0, 35], sizes = [1024, 1], strides = [1, 1]} : vector<1024x50xi32> to vector<1024x1xi32>
    %squeeze3A_336 = vector.shape_cast %slice3A_335 : vector<1024x1xi32> to vector<1024xi32>
    %broadcast_in_dim3A_337 = vector.shape_cast %squeeze3A_336 : vector<1024xi32> to vector<1024x1xi32>
    %eq3A_338 = vector.broadcast %broadcast_in_dim3A_337 : vector<1024x1xi32> to vector<1024x256xi32>
    %eq3A_339 = arith.cmpi eq, %get3A_7, %eq3A_338 : vector<1024x256xi32>
    %or3A_340 = arith.ori %or3A_334, %eq3A_339 : vector<1024x256xi1>
    %slice3A_341 = vector.extract_strided_slice %get3A_4 {offsets = [0, 36], sizes = [1024, 1], strides = [1, 1]} : vector<1024x50xi32> to vector<1024x1xi32>
    %squeeze3A_342 = vector.shape_cast %slice3A_341 : vector<1024x1xi32> to vector<1024xi32>
    %broadcast_in_dim3A_343 = vector.shape_cast %squeeze3A_342 : vector<1024xi32> to vector<1024x1xi32>
    %eq3A_344 = vector.broadcast %broadcast_in_dim3A_343 : vector<1024x1xi32> to vector<1024x256xi32>
    %eq3A_345 = arith.cmpi eq, %get3A_7, %eq3A_344 : vector<1024x256xi32>
    %or3A_346 = arith.ori %or3A_340, %eq3A_345 : vector<1024x256xi1>
    %slice3A_347 = vector.extract_strided_slice %get3A_4 {offsets = [0, 37], sizes = [1024, 1], strides = [1, 1]} : vector<1024x50xi32> to vector<1024x1xi32>
    %squeeze3A_348 = vector.shape_cast %slice3A_347 : vector<1024x1xi32> to vector<1024xi32>
    %broadcast_in_dim3A_349 = vector.shape_cast %squeeze3A_348 : vector<1024xi32> to vector<1024x1xi32>
    %eq3A_350 = vector.broadcast %broadcast_in_dim3A_349 : vector<1024x1xi32> to vector<1024x256xi32>
    %eq3A_351 = arith.cmpi eq, %get3A_7, %eq3A_350 : vector<1024x256xi32>
    %or3A_352 = arith.ori %or3A_346, %eq3A_351 : vector<1024x256xi1>
    %slice3A_353 = vector.extract_strided_slice %get3A_4 {offsets = [0, 38], sizes = [1024, 1], strides = [1, 1]} : vector<1024x50xi32> to vector<1024x1xi32>
    %squeeze3A_354 = vector.shape_cast %slice3A_353 : vector<1024x1xi32> to vector<1024xi32>
    %broadcast_in_dim3A_355 = vector.shape_cast %squeeze3A_354 : vector<1024xi32> to vector<1024x1xi32>
    %eq3A_356 = vector.broadcast %broadcast_in_dim3A_355 : vector<1024x1xi32> to vector<1024x256xi32>
    %eq3A_357 = arith.cmpi eq, %get3A_7, %eq3A_356 : vector<1024x256xi32>
    %or3A_358 = arith.ori %or3A_352, %eq3A_357 : vector<1024x256xi1>
    %slice3A_359 = vector.extract_strided_slice %get3A_4 {offsets = [0, 39], sizes = [1024, 1], strides = [1, 1]} : vector<1024x50xi32> to vector<1024x1xi32>
    %squeeze3A_360 = vector.shape_cast %slice3A_359 : vector<1024x1xi32> to vector<1024xi32>
    %broadcast_in_dim3A_361 = vector.shape_cast %squeeze3A_360 : vector<1024xi32> to vector<1024x1xi32>
    %eq3A_362 = vector.broadcast %broadcast_in_dim3A_361 : vector<1024x1xi32> to vector<1024x256xi32>
    %eq3A_363 = arith.cmpi eq, %get3A_7, %eq3A_362 : vector<1024x256xi32>
    %or3A_364 = arith.ori %or3A_358, %eq3A_363 : vector<1024x256xi1>
    %slice3A_365 = vector.extract_strided_slice %get3A_4 {offsets = [0, 40], sizes = [1024, 1], strides = [1, 1]} : vector<1024x50xi32> to vector<1024x1xi32>
    %squeeze3A_366 = vector.shape_cast %slice3A_365 : vector<1024x1xi32> to vector<1024xi32>
    %broadcast_in_dim3A_367 = vector.shape_cast %squeeze3A_366 : vector<1024xi32> to vector<1024x1xi32>
    %eq3A_368 = vector.broadcast %broadcast_in_dim3A_367 : vector<1024x1xi32> to vector<1024x256xi32>
    %eq3A_369 = arith.cmpi eq, %get3A_7, %eq3A_368 : vector<1024x256xi32>
    %or3A_370 = arith.ori %or3A_364, %eq3A_369 : vector<1024x256xi1>
    %slice3A_371 = vector.extract_strided_slice %get3A_4 {offsets = [0, 41], sizes = [1024, 1], strides = [1, 1]} : vector<1024x50xi32> to vector<1024x1xi32>
    %squeeze3A_372 = vector.shape_cast %slice3A_371 : vector<1024x1xi32> to vector<1024xi32>
    %broadcast_in_dim3A_373 = vector.shape_cast %squeeze3A_372 : vector<1024xi32> to vector<1024x1xi32>
    %eq3A_374 = vector.broadcast %broadcast_in_dim3A_373 : vector<1024x1xi32> to vector<1024x256xi32>
    %eq3A_375 = arith.cmpi eq, %get3A_7, %eq3A_374 : vector<1024x256xi32>
    %or3A_376 = arith.ori %or3A_370, %eq3A_375 : vector<1024x256xi1>
    %slice3A_377 = vector.extract_strided_slice %get3A_4 {offsets = [0, 42], sizes = [1024, 1], strides = [1, 1]} : vector<1024x50xi32> to vector<1024x1xi32>
    %squeeze3A_378 = vector.shape_cast %slice3A_377 : vector<1024x1xi32> to vector<1024xi32>
    %broadcast_in_dim3A_379 = vector.shape_cast %squeeze3A_378 : vector<1024xi32> to vector<1024x1xi32>
    %eq3A_380 = vector.broadcast %broadcast_in_dim3A_379 : vector<1024x1xi32> to vector<1024x256xi32>
    %eq3A_381 = arith.cmpi eq, %get3A_7, %eq3A_380 : vector<1024x256xi32>
    %or3A_382 = arith.ori %or3A_376, %eq3A_381 : vector<1024x256xi1>
    %slice3A_383 = vector.extract_strided_slice %get3A_4 {offsets = [0, 43], sizes = [1024, 1], strides = [1, 1]} : vector<1024x50xi32> to vector<1024x1xi32>
    %squeeze3A_384 = vector.shape_cast %slice3A_383 : vector<1024x1xi32> to vector<1024xi32>
    %broadcast_in_dim3A_385 = vector.shape_cast %squeeze3A_384 : vector<1024xi32> to vector<1024x1xi32>
    %eq3A_386 = vector.broadcast %broadcast_in_dim3A_385 : vector<1024x1xi32> to vector<1024x256xi32>
    %eq3A_387 = arith.cmpi eq, %get3A_7, %eq3A_386 : vector<1024x256xi32>
    %or3A_388 = arith.ori %or3A_382, %eq3A_387 : vector<1024x256xi1>
    %slice3A_389 = vector.extract_strided_slice %get3A_4 {offsets = [0, 44], sizes = [1024, 1], strides = [1, 1]} : vector<1024x50xi32> to vector<1024x1xi32>
    %squeeze3A_390 = vector.shape_cast %slice3A_389 : vector<1024x1xi32> to vector<1024xi32>
    %broadcast_in_dim3A_391 = vector.shape_cast %squeeze3A_390 : vector<1024xi32> to vector<1024x1xi32>
    %eq3A_392 = vector.broadcast %broadcast_in_dim3A_391 : vector<1024x1xi32> to vector<1024x256xi32>
    %eq3A_393 = arith.cmpi eq, %get3A_7, %eq3A_392 : vector<1024x256xi32>
    %or3A_394 = arith.ori %or3A_388, %eq3A_393 : vector<1024x256xi1>
    %slice3A_395 = vector.extract_strided_slice %get3A_4 {offsets = [0, 45], sizes = [1024, 1], strides = [1, 1]} : vector<1024x50xi32> to vector<1024x1xi32>
    %squeeze3A_396 = vector.shape_cast %slice3A_395 : vector<1024x1xi32> to vector<1024xi32>
    %broadcast_in_dim3A_397 = vector.shape_cast %squeeze3A_396 : vector<1024xi32> to vector<1024x1xi32>
    %eq3A_398 = vector.broadcast %broadcast_in_dim3A_397 : vector<1024x1xi32> to vector<1024x256xi32>
    %eq3A_399 = arith.cmpi eq, %get3A_7, %eq3A_398 : vector<1024x256xi32>
    %or3A_400 = arith.ori %or3A_394, %eq3A_399 : vector<1024x256xi1>
    %slice3A_401 = vector.extract_strided_slice %get3A_4 {offsets = [0, 46], sizes = [1024, 1], strides = [1, 1]} : vector<1024x50xi32> to vector<1024x1xi32>
    %squeeze3A_402 = vector.shape_cast %slice3A_401 : vector<1024x1xi32> to vector<1024xi32>
    %broadcast_in_dim3A_403 = vector.shape_cast %squeeze3A_402 : vector<1024xi32> to vector<1024x1xi32>
    %eq3A_404 = vector.broadcast %broadcast_in_dim3A_403 : vector<1024x1xi32> to vector<1024x256xi32>
    %eq3A_405 = arith.cmpi eq, %get3A_7, %eq3A_404 : vector<1024x256xi32>
    %or3A_406 = arith.ori %or3A_400, %eq3A_405 : vector<1024x256xi1>
    %slice3A_407 = vector.extract_strided_slice %get3A_4 {offsets = [0, 47], sizes = [1024, 1], strides = [1, 1]} : vector<1024x50xi32> to vector<1024x1xi32>
    %squeeze3A_408 = vector.shape_cast %slice3A_407 : vector<1024x1xi32> to vector<1024xi32>
    %broadcast_in_dim3A_409 = vector.shape_cast %squeeze3A_408 : vector<1024xi32> to vector<1024x1xi32>
    %eq3A_410 = vector.broadcast %broadcast_in_dim3A_409 : vector<1024x1xi32> to vector<1024x256xi32>
    %eq3A_411 = arith.cmpi eq, %get3A_7, %eq3A_410 : vector<1024x256xi32>
    %or3A_412 = arith.ori %or3A_406, %eq3A_411 : vector<1024x256xi1>
    %slice3A_413 = vector.extract_strided_slice %get3A_4 {offsets = [0, 48], sizes = [1024, 1], strides = [1, 1]} : vector<1024x50xi32> to vector<1024x1xi32>
    %squeeze3A_414 = vector.shape_cast %slice3A_413 : vector<1024x1xi32> to vector<1024xi32>
    %broadcast_in_dim3A_415 = vector.shape_cast %squeeze3A_414 : vector<1024xi32> to vector<1024x1xi32>
    %eq3A_416 = vector.broadcast %broadcast_in_dim3A_415 : vector<1024x1xi32> to vector<1024x256xi32>
    %eq3A_417 = arith.cmpi eq, %get3A_7, %eq3A_416 : vector<1024x256xi32>
    %or3A_418 = arith.ori %or3A_412, %eq3A_417 : vector<1024x256xi1>
    %slice3A_419 = vector.extract_strided_slice %get3A_4 {offsets = [0, 49], sizes = [1024, 1], strides = [1, 1]} : vector<1024x50xi32> to vector<1024x1xi32>
    %squeeze3A_420 = vector.shape_cast %slice3A_419 : vector<1024x1xi32> to vector<1024xi32>
    %broadcast_in_dim3A_421 = vector.shape_cast %squeeze3A_420 : vector<1024xi32> to vector<1024x1xi32>
    %eq3A_422 = vector.broadcast %broadcast_in_dim3A_421 : vector<1024x1xi32> to vector<1024x256xi32>
    %eq3A_423 = arith.cmpi eq, %get3A_7, %eq3A_422 : vector<1024x256xi32>
    %or3A_424 = arith.ori %or3A_418, %eq3A_423 : vector<1024x256xi1>
    %iota3A = tpu.iota {dimensions = array<i32: 1>} : vector<1024x256xi32>
    %jit3A = arith.constant 256 : i32
    %broadcast_in_dim3A_425 = vector.broadcast %jit3A : i32 to vector<1024x256xi32>
    %select_n3A = arith.select %or3A_424, %broadcast_in_dim3A_425, %iota3A : vector<1024x256xi1>, vector<1024x256xi32>
    %reduce_min3A = arith.constant dense<2147483647> : vector<1024xi32>
    %reduce_min3A_426 = vector.multi_reduction <minsi>, %select_n3A, %reduce_min3A [1] : vector<1024x256xi32> to vector<1024xi32>
    %eq3A_427 = arith.constant 256 : i32
    %eq3A_428 = vector.broadcast %eq3A_427 : i32 to vector<1024xi32>
    %eq3A_429 = arith.cmpi eq, %reduce_min3A_426, %eq3A_428 : vector<1024xi32>
    %jit3A_430 = arith.constant 0 : i32
    %broadcast_in_dim3A_431 = vector.broadcast %jit3A_430 : i32 to vector<1024xi32>
    %select_n3A_432 = arith.select %eq3A_429, %broadcast_in_dim3A_431, %reduce_min3A_426 : vector<1024xi1>, vector<1024xi32>
    %broadcast_in_dim3A_433 = vector.shape_cast %select_n3A_432 : vector<1024xi32> to vector<1024x1xi32>
    %eq3A_434 = vector.broadcast %broadcast_in_dim3A_433 : vector<1024x1xi32> to vector<1024x256xi32>
    %eq3A_435 = arith.cmpi eq, %iota3A, %eq3A_434 : vector<1024x256xi32>
    %jit3A_436 = arith.constant 0 : i32
    %broadcast_in_dim3A_437 = vector.broadcast %jit3A_436 : i32 to vector<1024x256xi32>
    %select_n3A_438 = arith.select %eq3A_435, %get3A_7, %broadcast_in_dim3A_437 : vector<1024x256xi1>, vector<1024x256xi32>
    %reduce_sum3A = arith.constant dense<0> : vector<1024xi32>
    %reduce_sum3A_439 = vector.multi_reduction <add>, %select_n3A_438, %reduce_sum3A [1] : vector<1024x256xi32> to vector<1024xi32>
    %iota3A_440 = tpu.iota {dimensions = array<i32: 0>} : vector<1024x1024xi32>
    %mul3A = arith.constant 100000 : i32
    %mul3A_441 = vector.broadcast %mul3A : i32 to vector<1024x1024xi32>
    %mul3A_442 = arith.muli %iota3A_440, %mul3A_441 : vector<1024x1024xi32>
    %broadcast_in_dim3A_443 = vector.shape_cast %reduce_sum3A_439 : vector<1024xi32> to vector<1x1024xi32>
    %add3A = vector.broadcast %broadcast_in_dim3A_443 : vector<1x1024xi32> to vector<1024x1024xi32>
    %add3A_444 = arith.addi %mul3A_442, %add3A : vector<1024x1024xi32>
    %swap3A = arith.constant 0 : index
    %swap3A_445 = arith.constant 0 : index
    %swap3A_446 = vector.load %arg3[%swap3A, %swap3A_445] : memref<1024x1024xi32, #tpu.memory_space<vmem>>, vector<1024x1024xi32>
    tpu.vector_store %arg3[%swap3A, %swap3A_445], %add3A_444 {strides = array<i32>} : memref<1024x1024xi32, #tpu.memory_space<vmem>>, vector<1024x1024xi32>,
    %broadcast_in_dim3A_447 = arith.constant 0 : i32
    %broadcast_in_dim3A_448 = vector.broadcast %broadcast_in_dim3A_447 : i32 to vector<1024x12xi32>
    %concatenate3A = tpu.concatenate %get3A_1, %broadcast_in_dim3A_448 in 1 : vector<1024x20xi32>, vector<1024x12xi32> -> vector<1024x32xi32>
    %iota3A_449 = tpu.iota {dimensions = array<i32: 0>} : vector<1024x32xi32>
    %mul3A_450 = arith.constant 100000 : i32
    %mul3A_451 = vector.broadcast %mul3A_450 : i32 to vector<1024x32xi32>
    %mul3A_452 = arith.muli %iota3A_449, %mul3A_451 : vector<1024x32xi32>
    %add3A_453 = arith.addi %mul3A_452, %concatenate3A : vector<1024x32xi32>
    %swap3A_454 = arith.constant 0 : index
    %swap3A_455 = arith.constant 0 : index
    %swap3A_456 = vector.load %arg4[%swap3A_454, %swap3A_455] : memref<1024x32xi32, #tpu.memory_space<vmem>>, vector<1024x32xi32>
    tpu.vector_store %arg4[%swap3A_454, %swap3A_455], %add3A_453 {strides = array<i32>} : memref<1024x32xi32, #tpu.memory_space<vmem>>, vector<1024x32xi32>,
    return
  }
}

module attributes {stable_mosaic.version = 14 : i64} {
  func.func @_stage3_body(%arg0: memref<8448x128xf32, #tpu.memory_space<vmem>>, %arg1: memref<1x1xf32, #tpu.memory_space<vmem>>) attributes {dimension_semantics = [], scalar_prefetch = 0 : i64, scratch_operands = 0 : i64, tpu.core_type = #tpu.core_type<tc>} {
    %get3A = arith.constant 0 : index
    %get3A_0 = arith.constant 0 : index
    %get3A_1 = vector.load %arg0[%get3A, %get3A_0] : memref<8448x128xf32, #tpu.memory_space<vmem>>, vector<8448x128xf32>
    %slice3A = vector.extract_strided_slice %get3A_1 {offsets = [0, 0], sizes = [8192, 128], strides = [1, 1]} : vector<8448x128xf32> to vector<8192x128xf32>
    %slice3A_2 = vector.extract_strided_slice %get3A_1 {offsets = [8192, 0], sizes = [256, 128], strides = [1, 1]} : vector<8448x128xf32> to vector<256x128xf32>
    %logistic3A = arith.negf %slice3A : vector<8192x128xf32>
    %logistic3A_3 = math.exp %logistic3A : vector<8192x128xf32>
    %logistic3A_4 = arith.constant 1.000000e+00 : f32
    %logistic3A_5 = vector.broadcast %logistic3A_4 : f32 to vector<8192x128xf32>
    %logistic3A_6 = arith.addf %logistic3A_5, %logistic3A_3 : vector<8192x128xf32>
    %logistic3A_7 = arith.divf %logistic3A_5, %logistic3A_6 : vector<8192x128xf32>
    %sub3A = arith.constant 1.000000e+00 : f32
    %sub3A_8 = vector.broadcast %sub3A : f32 to vector<8192x128xf32>
    %sub3A_9 = arith.subf %sub3A_8, %logistic3A_7 : vector<8192x128xf32>
    %add3A = arith.constant 1.000000e-10 : f32
    %add3A_10 = vector.broadcast %add3A : f32 to vector<8192x128xf32>
    %add3A_11 = arith.addf %sub3A_9, %add3A_10 : vector<8192x128xf32>
    %log3A = math.log %add3A_11 : vector<8192x128xf32>
    %neg3A = arith.constant 0.000000e+00 : f32
    %neg3A_12 = vector.broadcast %neg3A : f32 to vector<8192x128xf32>
    %neg3A_13 = arith.subf %neg3A_12, %log3A : vector<8192x128xf32>
    %reduce_sum3A = vector.shape_cast %neg3A_13 : vector<8192x128xf32> to vector<1x8192x128xf32>
    %reduce_sum3A_14 = arith.constant dense<0.000000e+00> : vector<1xf32>
    %reduce_sum3A_15 = vector.multi_reduction <add>, %reduce_sum3A, %reduce_sum3A_14 [1, 2] : vector<1x8192x128xf32> to vector<1xf32>
    %reduce_sum3A_16 = vector.shape_cast %reduce_sum3A_15 : vector<1xf32> to vector<1x1x1xf32>
    %reduce_sum3A_17 = vector.extract %reduce_sum3A_16[0, 0, 0] : f32 from vector<1x1x1xf32>
    %iota3A = tpu.iota {dimensions = array<i32: 1>} : vector<256x128xi32>
    %jit3A = arith.constant 32 : i32
    %eq3A = arith.constant 0 : i32
    %eq3A_18 = arith.cmpi eq, %jit3A, %eq3A : i32
    %jit3A_19 = arith.constant 1 : i32
    %select_n3A = arith.select %eq3A_18, %jit3A_19, %jit3A : i32
    %rem3A = vector.broadcast %select_n3A : i32 to vector<256x128xi32>
    %rem3A_20 = arith.remsi %iota3A, %rem3A : vector<256x128xi32>
    %ne3A = arith.constant 0 : i32
    %ne3A_21 = vector.broadcast %ne3A : i32 to vector<256x128xi32>
    %ne3A_22 = arith.cmpi ne, %rem3A_20, %ne3A_21 : vector<256x128xi32>
    %lt3A = arith.constant 0 : i32
    %lt3A_23 = vector.broadcast %lt3A : i32 to vector<256x128xi32>
    %lt3A_24 = arith.cmpi slt, %rem3A_20, %lt3A_23 : vector<256x128xi32>
    %lt3A_25 = arith.constant 0 : i32
    %lt3A_26 = arith.cmpi slt, %select_n3A, %lt3A_25 : i32
    %ne3A_27 = vector.broadcast %lt3A_26 : i1 to vector<256x128xi1>
    %ne3A_28 = vector.broadcast %ne3A_27 : vector<256x128xi1> to vector<256x128xi1>
    %ne3A_29 = arith.xori %lt3A_24, %ne3A_28 : vector<256x128xi1>
    %and3A = arith.andi %ne3A_29, %ne3A_22 : vector<256x128xi1>
    %add3A_30 = vector.broadcast %select_n3A : i32 to vector<256x128xi32>
    %add3A_31 = arith.addi %rem3A_20, %add3A_30 : vector<256x128xi32>
    %select_n3A_32 = arith.select %and3A, %add3A_31, %rem3A_20 : vector<256x128xi1>, vector<256x128xi32>
    %lt3A_33 = arith.constant 20 : i32
    %lt3A_34 = vector.broadcast %lt3A_33 : i32 to vector<256x128xi32>
    %lt3A_35 = arith.cmpi slt, %select_n3A_32, %lt3A_34 : vector<256x128xi32>
    %logistic3A_36 = arith.negf %slice3A_2 : vector<256x128xf32>
    %logistic3A_37 = math.exp %logistic3A_36 : vector<256x128xf32>
    %logistic3A_38 = arith.constant 1.000000e+00 : f32
    %logistic3A_39 = vector.broadcast %logistic3A_38 : f32 to vector<256x128xf32>
    %logistic3A_40 = arith.addf %logistic3A_39, %logistic3A_37 : vector<256x128xf32>
    %logistic3A_41 = arith.divf %logistic3A_39, %logistic3A_40 : vector<256x128xf32>
    %add3A_42 = arith.constant 1.000000e-10 : f32
    %add3A_43 = vector.broadcast %add3A_42 : f32 to vector<256x128xf32>
    %add3A_44 = arith.addf %logistic3A_41, %add3A_43 : vector<256x128xf32>
    %log3A_45 = math.log %add3A_44 : vector<256x128xf32>
    %neg3A_46 = arith.constant 0.000000e+00 : f32
    %neg3A_47 = vector.broadcast %neg3A_46 : f32 to vector<256x128xf32>
    %neg3A_48 = arith.subf %neg3A_47, %log3A_45 : vector<256x128xf32>
    %jit3A_49 = arith.constant 0.000000e+00 : f32
    %broadcast_in_dim3A = vector.broadcast %jit3A_49 : f32 to vector<256x128xf32>
    %select_n3A_50 = arith.select %lt3A_35, %neg3A_48, %broadcast_in_dim3A : vector<256x128xi1>, vector<256x128xf32>
    %reduce_sum3A_51 = vector.shape_cast %select_n3A_50 : vector<256x128xf32> to vector<1x256x128xf32>
    %reduce_sum3A_52 = arith.constant dense<0.000000e+00> : vector<1xf32>
    %reduce_sum3A_53 = vector.multi_reduction <add>, %reduce_sum3A_51, %reduce_sum3A_52 [1, 2] : vector<1x256x128xf32> to vector<1xf32>
    %reduce_sum3A_54 = vector.shape_cast %reduce_sum3A_53 : vector<1xf32> to vector<1x1x1xf32>
    %reduce_sum3A_55 = vector.extract %reduce_sum3A_54[0, 0, 0] : f32 from vector<1x1x1xf32>
    %div3A = arith.constant 1.024000e+03 : f32
    %div3A_56 = arith.divf %reduce_sum3A_17, %div3A : f32
    %div3A_57 = arith.constant 2.048000e+04 : f32
    %div3A_58 = arith.divf %reduce_sum3A_55, %div3A_57 : f32
    %add3A_59 = arith.addf %div3A_56, %div3A_58 : f32
    %reshape3A = vector.broadcast %add3A_59 : f32 to vector<1x1xf32>
    %swap3A = arith.constant 0 : index
    %swap3A_60 = arith.constant 0 : index
    %swap3A_61 = vector.load %arg1[%swap3A, %swap3A_60] : memref<1x1xf32, #tpu.memory_space<vmem>>, vector<1x1xf32>
    tpu.vector_store %arg1[%swap3A, %swap3A_60], %reshape3A {strides = array<i32>} : memref<1x1xf32, #tpu.memory_space<vmem>>, vector<1x1xf32>,
    return
  }
}

</mosaic_0001>

<sc_bundles>
// kernel: kernel.5.cloned.1.call-start
scs
__scs_entry_jumppad:
0x0: {  	(pc) =	sbr.rel $0x88, $3  }
0x1: {  	(tag) =	ssettag $0x0;
	lr =	simm.s32 $0x1  }
0x2: {  	[smem:$0x3F9E] =	sst lr;
	_ =	strace $0xD0000000  }
0x3: {  	_ = 	snop  }
0x4: {  	_ = 	snop  }
0x5: {  	_ = 	snop  }
0x6: {  	_ = 	snop  }
0x7: {  	_ = 	snop  }
__scs_overlays_trampoline_lowered:
0x8: {  	[smem:$0x3FAD] =	sst s0  }
0x9: {  	[smem:$0x3FAE] =	sst s1  }
0xa: {  	[smem:$0x3FAF] =	sst s2  }
0xb: {  	[smem:$0x3FB0] =	sst s3  }
0xc: {  	[smem:$0x3FB1] =	sst s4  }
0xd: {  	[smem:$0x3FB2] =	sst s5  }
0xe: {  	[smem:$0x3FB3] =	sst s6  }
0xf: {  	[smem:$0x3FB4] =	sst s7  }
0x10: {  	[smem:$0x3FB5] =	sst s8  }
0x11: {  	[smem:$0x3FB6] =	sst s9;
	s0 =	simm.s32 @!p0 $0x0  }
0x12: {  	s1 =	sld [smem:$0x3F9C];
	s0 =	simm.s32 @p0 $0x1  }
0x13: {  	[smem:$0x3FB7] =	sst s0;
	s0 =	simm.s32 @!p1 $0x0  }
0x14: {  	s2 =	sld [smem:$0x3F9B];
	s0 =	simm.s32 @p1 $0x1  }
0x15: {  	[smem:$0x3FB8] =	sst s0;
	s0 =	simm.s32 @!p2 $0x0  }
0x16: {  	s3 =	sld [smem:$0x3FDB];
	s0 =	simm.s32 @p2 $0x1  }
0x17: {  	s4 =	simm.s32 $0x1BF5;
	[smem:$0x3FBA] =	sst s0  }
0x18: {  	s0 =	sld [smem:$0x3F9D];
	_ =	swait.ge [sflag:s4], $0x0  }
0x19: {  	s7 =	sld [smem:$0x3F9E]  }
0x1a: {  	s8 =	sadd.s32 $0xFFFFE003, lr  }
0x1b: {  	s9 =	sadd.s32 $0xFFFFFEF7, lr;
	s5 =	simm.s32 $0xFFFFFFFF;
	p2 =	slt.u32 s8, $0xFFFFF086  }
0x1c: {  	p1 =	slt.u32 s9, $0xF7A;
	s5 =	simm.s32 @!p2 $0x0  }
0x1d: {  	s5 =	simm.s32 @p1 $0x1;
	p0 =	seq.s32 s7, s2  }
0x1e: {  	s7 =	smul.u32 @!p0 $0xF7A, s2;
	p2 =	seq.s32 @!p0 s5, $0x0  }
0x1f: {  	s9 =	smul.u32 $0xF7A, s1;
	s8 =	simm.s32 @!p0 $0x1BF5;
	p2 =	por !p2, p0  }
0x20: {  	[sflag:s8] =	ssyncset.s32 @!p0 $0xFFFFF086;
	s6 =	sadd.s32 @!p0 s3, s7;
	s7 =	simm.s32 @!p0 $0x108  }
0x21: {  	s3 =	sadd.s32 s3, s9;
	s6 =	sadd.s32 @!p0 $0x88, s6;
	s7 =	simm.s32 @p2 $0x1082  }
0x22: {  	[simem:s7], [sflag:s8] =	dma.local @!p0 [hbm:s6], $0xF7A  }
0x23: {  	s9 =	sor.u32 $0xD0000000, s2;
	s6 =	simm.s32 $0x108;
	_ =	swait.ge @!p0 [sflag:s8], $0x0  }
0x24: {  	s3 =	sadd.s32 $0x88, s3;
	s6 =	simm.s32 @!p1 $0x1082;
	[sflag:s4] =	ssyncset.s32 $0xFFFFF086  }
0x25: {  	[simem:s6], [sflag:s4] =	dma.local [hbm:s3], $0xF7A  }
0x26: {  	[smem:$0x3F9E] =	sst s1;
	(tag) =	ssettag s2;
	_ =	strace s9  }
0x27: {  	s1 =	sld [smem:$0x3FAE]  }
0x28: {  	s2 =	sld [smem:$0x3FAF]  }
0x29: {  	s4 =	sld [smem:$0x3FB1]  }
0x2a: {  	p0 =	seq.s32 s5, $0x0;
	s5 =	sld [smem:$0x3FB2]  }
0x2b: {  	s6 =	sld [smem:$0x3FB3]  }
0x2c: {  	s7 =	sld [smem:$0x3FB4]  }
0x2d: {  	s3 =	simm.s32 $0x108;
	s8 =	sld [smem:$0x3FB5]  }
0x2e: {  	s3 =	simm.s32 @!p0 $0x1082;
	s9 =	sld [smem:$0x3FB6]  }
0x2f: {  	lr =	sadd.s32 s0, s3;
	s0 =	sld [smem:$0x3FAD]  }
0x30: {  	s3 =	sld [smem:$0x3FB0]  }
0x31: {  	[smem:$0x3FB9] =	sst s10  }
0x32: {  	s10 =	sld [smem:$0x3FB7];
	_ =	sdelay $0x3  }
0x33: {  	p0 =	seq.s32 s10, $0x1;
	s10 =	sld [smem:$0x3FB9];
	_ =	sdelay $0x3  }
0x34: {  	[smem:$0x3FB9] =	sst s10  }
0x35: {  	s10 =	sld [smem:$0x3FB8];
	_ =	sdelay $0x3  }
0x36: {  	p1 =	seq.s32 s10, $0x1;
	s10 =	sld [smem:$0x3FB9];
	_ =	sdelay $0x3  }
0x37: {  	[smem:$0x3FB9] =	sst s10  }
0x38: {  	s10 =	sld [smem:$0x3FBA]  }
0x39: {  	_ = 	snop;
	(pc) =	sbr.ind lr, $3  }
0x3a: {  	_ = 	snop  }
0x3b: {  	_ = 	snop  }
0x3c: {  	p2 =	seq.s32 s10, $0x1;
	s10 =	sld [smem:$0x3FB9]  }
0x3d: {  	_ =	shalt  }
0x3e: {  	_ =	shalt  }
0x3f: {  	_ =	shalt  }
0x40: {  	_ =	shalt  }
0x41: {  	_ =	shalt  }
0x42: {  	_ =	shalt  }
0x43: {  	_ =	shalt  }
0x44: {  	_ =	shalt  }
0x45: {  	_ =	shalt  }
0x46: {  	_ =	shalt  }
0x47: {  	_ =	shalt  }
0x48: {  	_ =	shalt  }
0x49: {  	_ =	shalt  }
0x4a: {  	_ =	shalt  }
0x4b: {  	_ =	shalt  }
0x4c: {  	_ =	shalt  }
0x4d: {  	_ =	shalt  }
0x4e: {  	_ =	shalt  }
0x4f: {  	_ =	shalt  }
0x50: {  	_ =	shalt  }
0x51: {  	_ =	shalt  }
0x52: {  	_ =	shalt  }
0x53: {  	_ =	shalt  }
0x54: {  	_ =	shalt  }
0x55: {  	_ =	shalt  }
0x56: {  	_ =	shalt  }
0x57: {  	_ =	shalt  }
0x58: {  	_ =	shalt  }
0x59: {  	_ =	shalt  }
0x5a: {  	_ =	shalt  }
0x5b: {  	_ =	shalt  }
0x5c: {  	_ =	shalt  }
0x5d: {  	_ =	shalt  }
0x5e: {  	_ =	shalt  }
0x5f: {  	_ =	shalt  }
0x60: {  	_ =	shalt  }
0x61: {  	_ =	shalt  }
0x62: {  	_ =	shalt  }
0x63: {  	_ =	shalt  }
0x64: {  	_ =	shalt  }
0x65: {  	_ =	shalt  }
0x66: {  	_ =	shalt  }
0x67: {  	_ =	shalt  }
0x68: {  	_ =	shalt  }
0x69: {  	_ =	shalt  }
0x6a: {  	_ =	shalt  }
0x6b: {  	_ =	shalt  }
0x6c: {  	_ =	shalt  }
0x6d: {  	_ =	shalt  }
0x6e: {  	_ =	shalt  }
0x6f: {  	_ =	shalt  }
0x70: {  	_ =	shalt  }
0x71: {  	_ =	shalt  }
0x72: {  	_ =	shalt  }
0x73: {  	_ =	shalt  }
0x74: {  	_ =	shalt  }
0x75: {  	_ =	shalt  }
0x76: {  	_ =	shalt  }
0x77: {  	_ =	shalt  }
0x78: {  	_ =	shalt  }
0x79: {  	_ =	shalt  }
0x7a: {  	_ =	shalt  }
0x7b: {  	_ =	shalt  }
0x7c: {  	_ =	shalt  }
0x7d: {  	_ =	shalt  }
0x7e: {  	_ =	shalt  }
0x7f: {  	_ =	shalt  }
0x80: {  	_ =	shalt  }
0x81: {  	_ =	shalt  }
0x82: {  	_ =	shalt  }
0x83: {  	_ =	shalt  }
0x84: {  	_ =	shalt  }
0x85: {  	_ =	shalt  }
0x86: {  	_ =	shalt  }
0x87: {  	_ =	shalt  }
.Lfunc_end0:
.L_simem_size_0:
called_computation_lowered:
.L_overlay_start_0:
0x88: {  	s2 =	sld [smem:$0x3FD9]  }
0x89: {  	s3 =	sld [smem:$0x3FFE];
	_ =	sdelay $0x1  }
0x8a: {  	s1 =	srdreg.scid  }
0x8b: {  	s0 =	sand.u32 $0x1, s1  }
0x8c: {  	s16 =	sshll.u32 s0, $0xA;
	s2 =	sadd.s32 s3, s2  }
0x8d: {  	s2 =	sadd.s32 s2, s16  }
0x8e: {  	[smem:$0x3FC5] =	sst s2  }
0x8f: {  	_ = 	snop  }
0x90: {  	(tm) =	ssettm $0x1  }
0x91: {  	s17 =	sld [smem:$0x3FFB];
	_ =	sdelay $0x3  }
0x92: {  	_ =	strace s17  }
0x93: {  	s2 =	sld [smem:$0x3FFC];
	_ =	sdelay $0x3  }
0x94: {  	_ =	strace s2  }
0x95: {  	s2 =	sld [smem:$0x3FFD];
	_ =	sdelay $0x3  }
0x96: {  	_ =	strace s2  }
0x97: {  	_ =	strace $0x8FFFFFFF  }
0x98: {  	s18 =	sld [smem:$0x3FDB];
	_ =	sdelay $0x1  }
0x99: {  	s19 =	simm.s32 $_scs_section_size  }
0x9a: {  	s4 =	simm.s32 $_size__tile_overlayer_lowered;
	s5 =	simm.s32 $_tile_overlayer_lowered  }
0x9b: {  	s22 =	simm.s32 $0x1BFF;
	s21 =	sshll.u32 s5, $0x1;
	s2 =	sadd.s32 s19, s18  }
0x9c: {  	s6 =	simm.s32 $0x0;
	s20 =	sshll.u32 s4, $0x1;
	s4 =	sadd.s32 s21, s2  }
0x9d: {  	[timem:s6], [sflag:s22] =	dma.local [hbm:s4], s20  }
0x9e: {  	_ =	swait.ge [sflag:s22], s20  }
0x9f: {  	s3 =	ssub.s32 $0x0, s20;
	[sflag:s22] =	ssyncset.done $0x0  }
0xa0: {  	[sflag:s22] =	ssyncadd.s32 s3;
	_ =	sdelay $0x1  }
0xa1: {  	s23 =	simm.s32 $0x1B8B  }
0xa2: {  	_ =	swait.ge [sflag:s23], $0x1  }
0xa3: {  	[sflag:s23] =	ssyncset.done $0x0  }
0xa4: {  	s25 =	simm.s32 $0x1B8E;
	s24 =	sld [smem:$0x3FFE];
	[sflag:s23] =	ssyncadd.s32 $0xFFFFFFFF  }
0xa5: {  	s26 =	simm.s32 $execute0_lowered;
	[smem:$0x3FD2] =	sst s25  }
0xa6: {  	s4 =	sshll.u32 s26, $0x1;
	_ =	strace $0x80000046;
	[dreg:$0x1] =	wrdreg $0xFFFFFFFF  }
0xa7: {  	s28 =	simm.s32 $_size_execute0_lowered;
	s2 =	sadd.s32 s2, s4;
	[dreg:$0x0] =	wrdreg $0x0  }
0xa8: {  	s4 =	sshll.u32 s28, $0x1;
	[dreg:$0x2] =	wrdreg s2  }
0xa9: {  	[dreg:$0x3] =	wrdreg s4  }
0xaa: {  	[dreg:$0x4] =	wrdreg $0xC0  }
0xab: {  	_ =	task [dreg:s6], $0x5FFFF  }
0xac: {  	[dreg:$0x1] =	wrdreg $0xFFFFFFFF  }
0xad: {  	[dreg:$0x0] =	wrdreg $0x60  }
0xae: {  	[dreg:$0x2] =	wrdreg s24  }
0xaf: {  	[dreg:$0x3] =	wrdreg $0x9  }
0xb0: {  	_ =	task.clear_ibuf [dreg:s6], $0x4FFFF;
	_ =	strace $0x90000046  }
0xb1: {  	s29 =	simm.s32 $0x9;
	_ =	strace $0x80000048  }
0xb2: {  	_ =	swait.ge [sflag:s29], $0x1  }
0xb3: {  	[sflag:s29] =	ssyncadd.s32 $0xFFFFFFFF  }
0xb4: {  	_ =	strace $0x90000048  }
0xb5: {  	_ =	sfence  }
0xb6: {  	s30 =	sld [smem:$0x0];
	_ =	sdelay $0x2  }
0xb7: {  	s31 =	sshll.u32 s1, $0xD;
	s1 =	sshrl.u32 s1, $0x2  }
0xb8: {  	s3 =	sand.u32 $0x4000, s31;
	s1 =	sadd.s32 s1, s30  }
0xb9: {  	s0 =	sor.u32 s3, s0;
	s1 =	sshll.u32 s1, $0x11  }
0xba: {  	s0 =	sor.u32 s1, s0  }
0xbb: {  	s0 =	sadd.s32 $0x8F2B, s0  }
0xbc: {  	[sflag:s0] =	ssyncadd.remote.s32 $0x1  }
0xbd: {  	_ =	sfence.sel $0xFFFF  }
0xbe: {  	[dreg:$0x0] =	wrdreg $0xFFFFFFFF;
	(pc) =	sbr.abs _section_cstart, $3  }
0xbf: {  	[dreg:$0x1] =	wrdreg $0xFFFFFFFF  }
0xc0: {  	_ =	task.clear_ibuf [dreg:s6], $0x2FFFF;
	_ =	strace $0x9FFFFFFF  }
0xc1: {  	(tm) =	ssettm $0x7FFFFFFF  }
tec
execute0_lowered:
.L_overlay_start_1:
0x0: {  	(tag) =	ssettag $0x1  }
0x1: {  	s1 =	srdreg.scid  }
0x2: {  	s0 =	stileid.u32;
	s4 =	rddreg [dreg:$0x0]  }
0x3: {  	s2 =	simm.s32 $0x0;
	s7 =	simm.s32 $0x2;
	s8 =	simm.s32 $0x80  }
0x4: {  	s9 =	simm.s32 $0x1;
	s3 =	sand.u32 $0x1, s1;
	s5 =	sshll.u32 s0, $0x1  }
0x5: {  	s10 =	simm.s32 $0x8400;
	s11 =	simm.s32 $0x0;
	s5 =	sor.u32 s3, s5  }
0x6: {  	[smem:$0x7FF] =	sst s2;
	s6 =	ssub.s32 $0x2, s3;
	s5 =	smul.u32 $0x1080, s5  }
0x7: {  	s1 =	rddreg [dreg:$0x1];
	_ =	strace $0x80000047;
	s31 =	sshrl.u32 s6, $0x1  }
0x8: {  	s3 =	sadd.s32 $0xC38E00, s4;
	s6 =	ssub.s32 s6, s31;
	s5 =	sadd.s32 s5, s4  }
0x9: {  	s6 =	smax.u32 s6, $0x1;
	s4 =	sadd.s32 $0xE00, s5;
	s5 =	sadd.s32 $0x21E00, s5  }
.LBB2_1:
0xa: {  	[tilespmem:s2], [sflag:$0x2] =	stream.linear.gather [hbm4b:s4+s2], $0x8400, $0x38;
	[tilespmem:$0x10800] =	vst v63  }
0xb: {  	_ =	swait.ge [sflag:s7], $0x8400  }
0xc: {  	[sflag:s7] =	ssyncset.done $0x0  }
0xd: {  	s12 =	simm.s32 $0x0;
	s13 =	simm.s32 $0x8400;
	[sflag:s7] =	ssyncadd.s32 $0xFFFF7C00  }
0xe: {  	[tilespmem:s13], [sflag:$0x1] =	stream.indirect.gather [hbm4b:s3+s8], $0x1, s12, s8, $0xb8;
	[tilespmem:$0x10800] =	vst v63  }
0xf: {  	s19 =	simm.s32 $0x8480;
	s20 =	simm.s32 $0x80  }
0x10: {  	[tilespmem:s19], [sflag:$0x1] =	stream.indirect.gather [hbm4b:s3+s8], $0x1, s20, s8, $0xb8;
	[tilespmem:$0x10800] =	vst v63  }
0x11: {  	s21 =	simm.s32 $0x8500;
	s22 =	simm.s32 $0x100  }
0x12: {  	[tilespmem:s21], [sflag:$0x1] =	stream.indirect.gather [hbm4b:s3+s8], $0x1, s22, s8, $0xb8;
	[tilespmem:$0x10800] =	vst v63  }
0x13: {  	s23 =	simm.s32 $0x8580;
	s24 =	simm.s32 $0x180;
	s25 =	simm.s32 $0x8600  }
0x14: {  	[tilespmem:s23], [sflag:$0x1] =	stream.indirect.gather [hbm4b:s3+s8], $0x1, s24, s8, $0xb8;
	[tilespmem:$0x10800] =	vst v63  }
0x15: {  	s26 =	simm.s32 $0x200;
	s28 =	simm.s32 $0x8680;
	s29 =	simm.s32 $0x280  }
0x16: {  	[tilespmem:s25], [sflag:$0x1] =	stream.indirect.gather [hbm4b:s3+s8], $0x1, s26, s8, $0xb8;
	[tilespmem:$0x10800] =	vst v63  }
0x17: {  	s30 =	simm.s32 $0x8700;
	s31 =	simm.s32 $0x300;
	s14 =	simm.s32 $0x8780  }
0x18: {  	[tilespmem:s28], [sflag:$0x1] =	stream.indirect.gather [hbm4b:s3+s8], $0x1, s29, s8, $0xb8;
	[tilespmem:$0x10800] =	vst v63  }
0x19: {  	s15 =	simm.s32 $0x380;
	s12 =	simm.s32 $0x400;
	s13 =	simm.s32 $0x2000  }
0x1a: {  	[tilespmem:s30], [sflag:$0x1] =	stream.indirect.gather [hbm4b:s3+s8], $0x1, s31, s8, $0xb8;
	[tilespmem:$0x10800] =	vst v63  }
.LBB2_2:
0x1b: {  	[tilespmem:s14], [sflag:$0x1] =	stream.indirect.gather [hbm4b:s3+s8], $0x1, s15, s8, $0xb8;
	[tilespmem:$0x10800] =	vst v63  }
0x1c: {  	s14 =	smov.u32 s13  }
0x1d: {  	s17 =	sadd.s32 $0x1000, s13;
	s16 =	sshra.s32 s14, $0x2;
	s14 =	sadd.s32 $0x8400, s12  }
0x1e: {  	[tilespmem:s14], [sflag:$0x1] =	stream.indirect.gather [hbm4b:s3+s8], $0x1, s12, s8, $0xb8;
	[tilespmem:$0x10800] =	vst v63  }
0x1f: {  	p0 =	sne.s32 s13, $0x20000;
	s13 =	sadd.s32 $0x8480, s12;
	s14 =	sadd.s32 $0x80, s12  }
0x20: {  	[tilespmem:s13], [sflag:$0x1] =	stream.indirect.gather [hbm4b:s3+s8], $0x1, s14, s8, $0xb8;
	[tilespmem:$0x10800] =	vst v63  }
0x21: {  	s13 =	sadd.s32 $0x8500, s12;
	s14 =	sadd.s32 $0x100, s12  }
0x22: {  	[tilespmem:s13], [sflag:$0x1] =	stream.indirect.gather [hbm4b:s3+s8], $0x1, s14, s8, $0xb8;
	[tilespmem:$0x10800] =	vst v63  }
0x23: {  	s13 =	sadd.s32 $0x8580, s12;
	s14 =	sadd.s32 $0x180, s12  }
0x24: {  	[tilespmem:s13], [sflag:$0x1] =	stream.indirect.gather [hbm4b:s3+s8], $0x1, s14, s8, $0xb8;
	[tilespmem:$0x10800] =	vst v63  }
0x25: {  	s13 =	sadd.s32 $0x8600, s12;
	s14 =	sadd.s32 $0x200, s12  }
0x26: {  	[tilespmem:s13], [sflag:$0x1] =	stream.indirect.gather [hbm4b:s3+s8], $0x1, s14, s8, $0xb8;
	[tilespmem:$0x10800] =	vst v63  }
.Ltmp0:
0x27: {  	s13 =	sadd.s32 $0x8680, s12;
	s14 =	sadd.s32 $0x280, s12;
	(pc) =	sbr.rel @p0 .LBB2_2-.Ltmp0, $4  }
0x28: {  	[tilespmem:s13], [sflag:$0x1] =	stream.indirect.gather [hbm4b:s3+s8], $0x1, s14, s8, $0xb8;
	[tilespmem:$0x10800] =	vst v63  }
0x29: {  	s15 =	sadd.s32 $0x380, s12;
	s13 =	sadd.s32 $0x8700, s12;
	s14 =	sadd.s32 $0x300, s12  }
0x2a: {  	[tilespmem:s13], [sflag:$0x1] =	stream.indirect.gather [hbm4b:s3+s8], $0x1, s14, s8, $0xb8;
	[tilespmem:$0x10800] =	vst v63  }
0x2b: {  	s14 =	sadd.s32 $0x8780, s12;
	s12 =	smov.u32 s16;
	s13 =	smov.u32 s17  }
0x2c: {  	[tilespmem:s14], [sflag:$0x1] =	stream.indirect.gather [hbm4b:s3+s8], $0x1, s15, s8, $0xb8;
	[tilespmem:$0x10800] =	vst v63  }
0x2d: {  	s13 =	sadd.s32 $0x8400, s12  }
0x2e: {  	[tilespmem:s13], [sflag:$0x1] =	stream.indirect.gather [hbm4b:s3+s8], $0x1, s12, s8, $0xb8;
	[tilespmem:$0x10800] =	vst v63  }
0x2f: {  	s17 =	sadd.s32 $0x8480, s12;
	s18 =	sadd.s32 $0x80, s12  }
0x30: {  	[tilespmem:s17], [sflag:$0x1] =	stream.indirect.gather [hbm4b:s3+s8], $0x1, s18, s8, $0xb8;
	[tilespmem:$0x10800] =	vst v63  }
0x31: {  	s19 =	sadd.s32 $0x8500, s12;
	s20 =	sadd.s32 $0x100, s12  }
0x32: {  	[tilespmem:s19], [sflag:$0x1] =	stream.indirect.gather [hbm4b:s3+s8], $0x1, s20, s8, $0xb8;
	[tilespmem:$0x10800] =	vst v63  }
0x33: {  	s21 =	sadd.s32 $0x8580, s12;
	s22 =	sadd.s32 $0x180, s12  }
0x34: {  	[tilespmem:s21], [sflag:$0x1] =	stream.indirect.gather [hbm4b:s3+s8], $0x1, s22, s8, $0xb8;
	[tilespmem:$0x10800] =	vst v63  }
0x35: {  	s23 =	sadd.s32 $0x8600, s12;
	s24 =	sadd.s32 $0x200, s12  }
0x36: {  	[tilespmem:s23], [sflag:$0x1] =	stream.indirect.gather [hbm4b:s3+s8], $0x1, s24, s8, $0xb8;
	[tilespmem:$0x10800] =	vst v63  }
0x37: {  	s25 =	sadd.s32 $0x8680, s12;
	s26 =	sadd.s32 $0x280, s12  }
0x38: {  	[tilespmem:s25], [sflag:$0x1] =	stream.indirect.gather [hbm4b:s3+s8], $0x1, s26, s8, $0xb8;
	[tilespmem:$0x10800] =	vst v63  }
0x39: {  	s28 =	sadd.s32 $0x8700, s12;
	s29 =	sadd.s32 $0x300, s12  }
0x3a: {  	[tilespmem:s28], [sflag:$0x1] =	stream.indirect.gather [hbm4b:s3+s8], $0x1, s29, s8, $0xb8;
	[tilespmem:$0x10800] =	vst v63  }
0x3b: {  	s30 =	sadd.s32 $0x8780, s12;
	s31 =	sadd.s32 $0x380, s12  }
0x3c: {  	[tilespmem:s30], [sflag:$0x1] =	stream.indirect.gather [hbm4b:s3+s8], $0x1, s31, s8, $0xb8;
	[tilespmem:$0x10800] =	vst v63  }
0x3d: {  	s11 =	sadd.s32 $0x1, s11;
	_ =	swait.ge [sflag:s9], $0x8400  }
0x3e: {  	p0 =	sne.s32 s11, s6;
	[sflag:s9] =	ssyncset.done $0x0  }
.Ltmp1:
0x3f: {  	[sflag:s9] =	ssyncadd.s32 $0xFFFF7C00;
	(pc) =	sbr.rel @p0 .LBB2_1-.Ltmp1, $4  }
0x40: {  	[hbm4b:s5+s2] =	stream.linear.scatter [tilespmem:s10], [sflag:$0x2], $0x8400, $0x38;
	[tilespmem:$0x10800] =	vst v63  }
0x41: {  	_ =	swait.ge [sflag:s7], $0x8400  }
0x42: {  	[sflag:s7] =	ssyncset.done $0x0  }
0x43: {  	[sflag:s7] =	ssyncadd.s32 $0xFFFF7C00  }
0x44: {  	_ =	sfence.sel $0x180000  }
0x45: {  	[bflag:$0x0] =	sbarrier.arrive $0xFFFF  }
0x46: {  	p0 =	sne.s32 s0, $0x0;
	_ =	strace $0x90000047  }
0x47: {  	s0 =	sadd.s32 @!p0 $0x100000, s1;
	[bflag:$0x2] =	sbarrier.arrive $0xFFFF  }
0x48: {  	[sflag:s0] =	ssyncadd.tile.s32 @!p0 $0x1;
	_ =	shalt  }
.Lfunc_end2:
_tile_overlayer_lowered:
.L_overlay_start_2:
0x49: {  	(tag) =	ssettag $0x2  }
0x4a: {  	s0 =	rddreg [dreg:$0x0];
	s2 =	stileid.u32  }
0x4b: {  	s1 =	rddreg [dreg:$0x1];
	p0 =	sne.s32 s2, $0x0  }
0x4c: {  	s3 =	rddreg [dreg:$0x2];
	[bflag:$0x3] =	sbarrier.arrive $0xFFFF;
	s2 =	simm.s32 @!p0 $0x1C02  }
0x4d: {  	[timem:s3], [sflag:s2] =	dma.local @!p0 [hbm:s0], s1  }
0x4e: {  	s0 =	simm.s32 @!p0 $0x2  }
0x4f: {  	_ =	swait.ge @!p0 [sflag:s0], s1  }
0x50: {  	s1 =	ssub.s32 @!p0 $0x0, s1;
	[sflag:s0] =	ssyncset.done @!p0 $0x0  }
0x51: {  	[sflag:s0] =	ssyncadd.s32 @!p0 s1  }
0x52: {  	[bflag:$0x3] =	sbarrier.arrive $0xFFFF  }
0x53: {  	_ =	shalt  }

</sc_bundles>
